<compile_context>
chip_gen: v7x
topology: tpu7x:2x2x1
jax: 0.10.2.dev20260603
libtpu: 0.0.44.dev20260713+nightly
codegen_flags: <defaults>
</compile_context>

<pallas_src>
import functools

import jax
import jax.numpy as jnp
from jax import lax
from jax.experimental import pallas as pl
from jax.experimental.pallas import tpu as pltpu
from jax.experimental.pallas import tpu_sc as plsc

_REP = 4
_ROWS = 2048
_D = 2048
_NC = 2
_NS = 16
_NW = _NC * _NS
_RPW = _ROWS // _NW
_C = 16
_NCH = _RPW // _C

_mesh = plsc.VectorSubcoreMesh(core_axis_name="c", subcore_axis_name="s")


@functools.partial(
    pl.kernel,
    mesh=_mesh,
    out_type=jax.ShapeDtypeStruct((_ROWS * _REP, _D), jnp.float32),
    scratch_types=[
        pltpu.VMEM((_C, _D), jnp.float32),
        pltpu.VMEM((_C, _D), jnp.float32),
        pltpu.VMEM((_NCH * _REP, _C), jnp.int32),
        pltpu.SemaphoreType.DMA,
        pltpu.SemaphoreType.DMA,
        pltpu.SemaphoreType.DMA,
        pltpu.SemaphoreType.DMA,
    ],
)
def _upsample(x_hbm, out_hbm, buf0, buf1, idx, rsem0, rsem1, wsem0, wsem1):
    wid = lax.axis_index("s") * _NC + lax.axis_index("c")
    base = wid * _RPW
    bufs = (buf0, buf1)
    rsems = (rsem0, rsem1)
    wsems = (wsem0, wsem1)

    lanes = _REP * lax.iota(jnp.int32, _C)
    for i in range(_NCH):
        for r in range(_REP):
            idx[i * _REP + r] = _REP * base + _REP * _C * i + r + lanes

    def rd(i):
        return pltpu.async_copy(
            x_hbm.at[pl.ds(base + i * _C, _C)], bufs[i % 2], rsems[i % 2])

    reads = {0: rd(0), 1: rd(1)}
    writes = {}
    for i in range(_NCH):
        bi = i % 2
        reads[i].wait()
        writes[i] = [
            pltpu.async_copy(
                bufs[bi], out_hbm.at[idx.at[i * _REP + r]], wsems[bi])
            for r in range(_REP)
        ]
        if i + 2 < _NCH:
            for w in writes[i]:
                w.wait()
            reads[i + 2] = rd(i + 2)
    for w in writes[_NCH - 2] + writes[_NCH - 1]:
        w.wait()


def kernel(x, x_short):
    return _upsample(x_short)

# --- scband reference (transcript-rebuilt; emitter-appended) ---
"""Pipeline reference for scband-naive-up-sampling-49976239456493 (READ-ONLY COPY).

The authoritative reference and input builder live on the scoring server;
editing this copy changes nothing except your own understanding.
"""

import jax, jax.numpy as jnp
import numpy as np

K = 4


def setup_inputs(seed: int = 0) -> dict:
    key = jax.random.key(seed)
    k1, k2 = jax.random.split(key)
    x = jax.random.normal(k1, (8192, 2048), dtype=jnp.float32)
    x_short = jax.random.normal(k2, (2048, 2048), dtype=jnp.float32)
    return {"x": x, "x_short": x_short}


def reference(x, x_short):
    # torch.repeat_interleave(x_short, k, dim=0) == jnp.repeat(x_short, k, axis=0)
    expanded = jnp.repeat(x_short, K, axis=0)
    expanded = expanded[: x.shape[0]]
    return expanded

if __name__ == "__main__":
    import jax
    _d = setup_inputs()
    print(jax.jit(kernel)(*tuple(_d.values())))

</pallas_src>

<mosaic_0001>
#map = affine_map<(d0, d1) -> (0, 0)>
module attributes {stable_mosaic.version = 14 : i64} {
  func.func @_upsample(%arg0: i32, %arg1: i32, %arg2: memref<2048x2048xf32, #tpu.memory_space<hbm>>, %arg3: memref<8192x2048xf32, #tpu.memory_space<hbm>>, %arg4: memref<16x2048xf32, #tpu.memory_space<vmem>>, %arg5: memref<16x2048xf32, #tpu.memory_space<vmem>>, %arg6: memref<16x16xi32, #tpu.memory_space<vmem>>, %arg7: memref<!tpu.dma_semaphore, #tpu.memory_space<semaphore_mem>>, %arg8: memref<!tpu.dma_semaphore, #tpu.memory_space<semaphore_mem>>, %arg9: memref<!tpu.dma_semaphore, #tpu.memory_space<semaphore_mem>>, %arg10: memref<!tpu.dma_semaphore, #tpu.memory_space<semaphore_mem>>) attributes {dimension_semantics = [#tpu.dimension_semantics<core_parallel>, #tpu.dimension_semantics<subcore_parallel>], iteration_bounds = array<i64: 2, 16>, scalar_prefetch = 0 : i64, scratch_operands = 7 : i64, tpu.core_type = #tpu.core_type<sc_vector_subcore>, window_params = [{transform_indices = #map}, {transform_indices = #map}]} {
    %mul3A = arith.constant 2 : i32
    %mul3A_0 = arith.muli %arg1, %mul3A : i32
    %add3A = arith.addi %mul3A_0, %arg0 : i32
    %mul3A_1 = arith.constant 64 : i32
    %mul3A_2 = arith.muli %add3A, %mul3A_1 : i32
    %iota3A = tpu.iota {dimensions = array<i32: 0>} : vector<16xi32>
    %mul3A_3 = arith.constant 4 : i32
    %mul3A_4 = vector.broadcast %mul3A_3 : i32 to vector<16xi32>
    %mul3A_5 = arith.muli %mul3A_4, %iota3A : vector<16xi32>
    %mul3A_6 = arith.constant 4 : i32
    %mul3A_7 = arith.muli %mul3A_6, %mul3A_2 : i32
    %add3A_8 = arith.constant 0 : i32
    %add3A_9 = arith.addi %mul3A_7, %add3A_8 : i32
    %add3A_10 = arith.constant 0 : i32
    %add3A_11 = arith.addi %add3A_9, %add3A_10 : i32
    %add3A_12 = vector.broadcast %add3A_11 : i32 to vector<16xi32>
    %add3A_13 = arith.addi %add3A_12, %mul3A_5 : vector<16xi32>
    %swap3A = arith.constant 0 : i32
    %swap3A_14 = arith.index_cast %swap3A : i32 to index
    %swap3A_15 = arith.constant 0 : index
    %swap3A_16 = tpu.vector_load %arg6[%swap3A_14, %swap3A_15] {strides = array<i32>} : memref<16x16xi32, #tpu.memory_space<vmem>>, vector<1x16xi32>,
    %swap3A_17 = vector.shape_cast %swap3A_16 : vector<1x16xi32> to vector<16xi32>
    %swap3A_18 = vector.shape_cast %add3A_13 : vector<16xi32> to vector<1x16xi32>
    tpu.vector_store %arg6[%swap3A_14, %swap3A_15], %swap3A_18 {strides = array<i32>} : memref<16x16xi32, #tpu.memory_space<vmem>>, vector<1x16xi32>,
    %mul3A_19 = arith.constant 4 : i32
    %mul3A_20 = arith.muli %mul3A_19, %mul3A_2 : i32
    %add3A_21 = arith.constant 0 : i32
    %add3A_22 = arith.addi %mul3A_20, %add3A_21 : i32
    %add3A_23 = arith.constant 1 : i32
    %add3A_24 = arith.addi %add3A_22, %add3A_23 : i32
    %add3A_25 = vector.broadcast %add3A_24 : i32 to vector<16xi32>
    %add3A_26 = arith.addi %add3A_25, %mul3A_5 : vector<16xi32>
    %swap3A_27 = arith.constant 1 : i32
    %swap3A_28 = arith.index_cast %swap3A_27 : i32 to index
    %swap3A_29 = arith.constant 0 : index
    %swap3A_30 = tpu.vector_load %arg6[%swap3A_28, %swap3A_29] {strides = array<i32>} : memref<16x16xi32, #tpu.memory_space<vmem>>, vector<1x16xi32>,
    %swap3A_31 = vector.shape_cast %swap3A_30 : vector<1x16xi32> to vector<16xi32>
    %swap3A_32 = vector.shape_cast %add3A_26 : vector<16xi32> to vector<1x16xi32>
    tpu.vector_store %arg6[%swap3A_28, %swap3A_29], %swap3A_32 {strides = array<i32>} : memref<16x16xi32, #tpu.memory_space<vmem>>, vector<1x16xi32>,
    %mul3A_33 = arith.constant 4 : i32
    %mul3A_34 = arith.muli %mul3A_33, %mul3A_2 : i32
    %add3A_35 = arith.constant 0 : i32
    %add3A_36 = arith.addi %mul3A_34, %add3A_35 : i32
    %add3A_37 = arith.constant 2 : i32
    %add3A_38 = arith.addi %add3A_36, %add3A_37 : i32
    %add3A_39 = vector.broadcast %add3A_38 : i32 to vector<16xi32>
    %add3A_40 = arith.addi %add3A_39, %mul3A_5 : vector<16xi32>
    %swap3A_41 = arith.constant 2 : i32
    %swap3A_42 = arith.index_cast %swap3A_41 : i32 to index
    %swap3A_43 = arith.constant 0 : index
    %swap3A_44 = tpu.vector_load %arg6[%swap3A_42, %swap3A_43] {strides = array<i32>} : memref<16x16xi32, #tpu.memory_space<vmem>>, vector<1x16xi32>,
    %swap3A_45 = vector.shape_cast %swap3A_44 : vector<1x16xi32> to vector<16xi32>
    %swap3A_46 = vector.shape_cast %add3A_40 : vector<16xi32> to vector<1x16xi32>
    tpu.vector_store %arg6[%swap3A_42, %swap3A_43], %swap3A_46 {strides = array<i32>} : memref<16x16xi32, #tpu.memory_space<vmem>>, vector<1x16xi32>,
    %mul3A_47 = arith.constant 4 : i32
    %mul3A_48 = arith.muli %mul3A_47, %mul3A_2 : i32
    %add3A_49 = arith.constant 0 : i32
    %add3A_50 = arith.addi %mul3A_48, %add3A_49 : i32
    %add3A_51 = arith.constant 3 : i32
    %add3A_52 = arith.addi %add3A_50, %add3A_51 : i32
    %add3A_53 = vector.broadcast %add3A_52 : i32 to vector<16xi32>
    %add3A_54 = arith.addi %add3A_53, %mul3A_5 : vector<16xi32>
    %swap3A_55 = arith.constant 3 : i32
    %swap3A_56 = arith.index_cast %swap3A_55 : i32 to index
    %swap3A_57 = arith.constant 0 : index
    %swap3A_58 = tpu.vector_load %arg6[%swap3A_56, %swap3A_57] {strides = array<i32>} : memref<16x16xi32, #tpu.memory_space<vmem>>, vector<1x16xi32>,
    %swap3A_59 = vector.shape_cast %swap3A_58 : vector<1x16xi32> to vector<16xi32>
    %swap3A_60 = vector.shape_cast %add3A_54 : vector<16xi32> to vector<1x16xi32>
    tpu.vector_store %arg6[%swap3A_56, %swap3A_57], %swap3A_60 {strides = array<i32>} : memref<16x16xi32, #tpu.memory_space<vmem>>, vector<1x16xi32>,
    %mul3A_61 = arith.constant 4 : i32
    %mul3A_62 = arith.muli %mul3A_61, %mul3A_2 : i32
    %add3A_63 = arith.constant 64 : i32
    %add3A_64 = arith.addi %mul3A_62, %add3A_63 : i32
    %add3A_65 = arith.constant 0 : i32
    %add3A_66 = arith.addi %add3A_64, %add3A_65 : i32
    %add3A_67 = vector.broadcast %add3A_66 : i32 to vector<16xi32>
    %add3A_68 = arith.addi %add3A_67, %mul3A_5 : vector<16xi32>
    %swap3A_69 = arith.constant 4 : i32
    %swap3A_70 = arith.index_cast %swap3A_69 : i32 to index
    %swap3A_71 = arith.constant 0 : index
    %swap3A_72 = tpu.vector_load %arg6[%swap3A_70, %swap3A_71] {strides = array<i32>} : memref<16x16xi32, #tpu.memory_space<vmem>>, vector<1x16xi32>,
    %swap3A_73 = vector.shape_cast %swap3A_72 : vector<1x16xi32> to vector<16xi32>
    %swap3A_74 = vector.shape_cast %add3A_68 : vector<16xi32> to vector<1x16xi32>
    tpu.vector_store %arg6[%swap3A_70, %swap3A_71], %swap3A_74 {strides = array<i32>} : memref<16x16xi32, #tpu.memory_space<vmem>>, vector<1x16xi32>,
    %mul3A_75 = arith.constant 4 : i32
    %mul3A_76 = arith.muli %mul3A_75, %mul3A_2 : i32
    %add3A_77 = arith.constant 64 : i32
    %add3A_78 = arith.addi %mul3A_76, %add3A_77 : i32
    %add3A_79 = arith.constant 1 : i32
    %add3A_80 = arith.addi %add3A_78, %add3A_79 : i32
    %add3A_81 = vector.broadcast %add3A_80 : i32 to vector<16xi32>
    %add3A_82 = arith.addi %add3A_81, %mul3A_5 : vector<16xi32>
    %swap3A_83 = arith.constant 5 : i32
    %swap3A_84 = arith.index_cast %swap3A_83 : i32 to index
    %swap3A_85 = arith.constant 0 : index
    %swap3A_86 = tpu.vector_load %arg6[%swap3A_84, %swap3A_85] {strides = array<i32>} : memref<16x16xi32, #tpu.memory_space<vmem>>, vector<1x16xi32>,
    %swap3A_87 = vector.shape_cast %swap3A_86 : vector<1x16xi32> to vector<16xi32>
    %swap3A_88 = vector.shape_cast %add3A_82 : vector<16xi32> to vector<1x16xi32>
    tpu.vector_store %arg6[%swap3A_84, %swap3A_85], %swap3A_88 {strides = array<i32>} : memref<16x16xi32, #tpu.memory_space<vmem>>, vector<1x16xi32>,
    %mul3A_89 = arith.constant 4 : i32
    %mul3A_90 = arith.muli %mul3A_89, %mul3A_2 : i32
    %add3A_91 = arith.constant 64 : i32
    %add3A_92 = arith.addi %mul3A_90, %add3A_91 : i32
    %add3A_93 = arith.constant 2 : i32
    %add3A_94 = arith.addi %add3A_92, %add3A_93 : i32
    %add3A_95 = vector.broadcast %add3A_94 : i32 to vector<16xi32>
    %add3A_96 = arith.addi %add3A_95, %mul3A_5 : vector<16xi32>
    %swap3A_97 = arith.constant 6 : i32
    %swap3A_98 = arith.index_cast %swap3A_97 : i32 to index
    %swap3A_99 = arith.constant 0 : index
    %swap3A_100 = tpu.vector_load %arg6[%swap3A_98, %swap3A_99] {strides = array<i32>} : memref<16x16xi32, #tpu.memory_space<vmem>>, vector<1x16xi32>,
    %swap3A_101 = vector.shape_cast %swap3A_100 : vector<1x16xi32> to vector<16xi32>
    %swap3A_102 = vector.shape_cast %add3A_96 : vector<16xi32> to vector<1x16xi32>
    tpu.vector_store %arg6[%swap3A_98, %swap3A_99], %swap3A_102 {strides = array<i32>} : memref<16x16xi32, #tpu.memory_space<vmem>>, vector<1x16xi32>,
    %mul3A_103 = arith.constant 4 : i32
    %mul3A_104 = arith.muli %mul3A_103, %mul3A_2 : i32
    %add3A_105 = arith.constant 64 : i32
    %add3A_106 = arith.addi %mul3A_104, %add3A_105 : i32
    %add3A_107 = arith.constant 3 : i32
    %add3A_108 = arith.addi %add3A_106, %add3A_107 : i32
    %add3A_109 = vector.broadcast %add3A_108 : i32 to vector<16xi32>
    %add3A_110 = arith.addi %add3A_109, %mul3A_5 : vector<16xi32>
    %swap3A_111 = arith.constant 7 : i32
    %swap3A_112 = arith.index_cast %swap3A_111 : i32 to index
    %swap3A_113 = arith.constant 0 : index
    %swap3A_114 = tpu.vector_load %arg6[%swap3A_112, %swap3A_113] {strides = array<i32>} : memref<16x16xi32, #tpu.memory_space<vmem>>, vector<1x16xi32>,
    %swap3A_115 = vector.shape_cast %swap3A_114 : vector<1x16xi32> to vector<16xi32>
    %swap3A_116 = vector.shape_cast %add3A_110 : vector<16xi32> to vector<1x16xi32>
    tpu.vector_store %arg6[%swap3A_112, %swap3A_113], %swap3A_116 {strides = array<i32>} : memref<16x16xi32, #tpu.memory_space<vmem>>, vector<1x16xi32>,
    %mul3A_117 = arith.constant 4 : i32
    %mul3A_118 = arith.muli %mul3A_117, %mul3A_2 : i32
    %add3A_119 = arith.constant 128 : i32
    %add3A_120 = arith.addi %mul3A_118, %add3A_119 : i32
    %add3A_121 = arith.constant 0 : i32
    %add3A_122 = arith.addi %add3A_120, %add3A_121 : i32
    %add3A_123 = vector.broadcast %add3A_122 : i32 to vector<16xi32>
    %add3A_124 = arith.addi %add3A_123, %mul3A_5 : vector<16xi32>
    %swap3A_125 = arith.constant 8 : i32
    %swap3A_126 = arith.index_cast %swap3A_125 : i32 to index
    %swap3A_127 = arith.constant 0 : index
    %swap3A_128 = tpu.vector_load %arg6[%swap3A_126, %swap3A_127] {strides = array<i32>} : memref<16x16xi32, #tpu.memory_space<vmem>>, vector<1x16xi32>,
    %swap3A_129 = vector.shape_cast %swap3A_128 : vector<1x16xi32> to vector<16xi32>
    %swap3A_130 = vector.shape_cast %add3A_124 : vector<16xi32> to vector<1x16xi32>
    tpu.vector_store %arg6[%swap3A_126, %swap3A_127], %swap3A_130 {strides = array<i32>} : memref<16x16xi32, #tpu.memory_space<vmem>>, vector<1x16xi32>,
    %mul3A_131 = arith.constant 4 : i32
    %mul3A_132 = arith.muli %mul3A_131, %mul3A_2 : i32
    %add3A_133 = arith.constant 128 : i32
    %add3A_134 = arith.addi %mul3A_132, %add3A_133 : i32
    %add3A_135 = arith.constant 1 : i32
    %add3A_136 = arith.addi %add3A_134, %add3A_135 : i32
    %add3A_137 = vector.broadcast %add3A_136 : i32 to vector<16xi32>
    %add3A_138 = arith.addi %add3A_137, %mul3A_5 : vector<16xi32>
    %swap3A_139 = arith.constant 9 : i32
    %swap3A_140 = arith.index_cast %swap3A_139 : i32 to index
    %swap3A_141 = arith.constant 0 : index
    %swap3A_142 = tpu.vector_load %arg6[%swap3A_140, %swap3A_141] {strides = array<i32>} : memref<16x16xi32, #tpu.memory_space<vmem>>, vector<1x16xi32>,
    %swap3A_143 = vector.shape_cast %swap3A_142 : vector<1x16xi32> to vector<16xi32>
    %swap3A_144 = vector.shape_cast %add3A_138 : vector<16xi32> to vector<1x16xi32>
    tpu.vector_store %arg6[%swap3A_140, %swap3A_141], %swap3A_144 {strides = array<i32>} : memref<16x16xi32, #tpu.memory_space<vmem>>, vector<1x16xi32>,
    %mul3A_145 = arith.constant 4 : i32
    %mul3A_146 = arith.muli %mul3A_145, %mul3A_2 : i32
    %add3A_147 = arith.constant 128 : i32
    %add3A_148 = arith.addi %mul3A_146, %add3A_147 : i32
    %add3A_149 = arith.constant 2 : i32
    %add3A_150 = arith.addi %add3A_148, %add3A_149 : i32
    %add3A_151 = vector.broadcast %add3A_150 : i32 to vector<16xi32>
    %add3A_152 = arith.addi %add3A_151, %mul3A_5 : vector<16xi32>
    %swap3A_153 = arith.constant 10 : i32
    %swap3A_154 = arith.index_cast %swap3A_153 : i32 to index
    %swap3A_155 = arith.constant 0 : index
    %swap3A_156 = tpu.vector_load %arg6[%swap3A_154, %swap3A_155] {strides = array<i32>} : memref<16x16xi32, #tpu.memory_space<vmem>>, vector<1x16xi32>,
    %swap3A_157 = vector.shape_cast %swap3A_156 : vector<1x16xi32> to vector<16xi32>
    %swap3A_158 = vector.shape_cast %add3A_152 : vector<16xi32> to vector<1x16xi32>
    tpu.vector_store %arg6[%swap3A_154, %swap3A_155], %swap3A_158 {strides = array<i32>} : memref<16x16xi32, #tpu.memory_space<vmem>>, vector<1x16xi32>,
    %mul3A_159 = arith.constant 4 : i32
    %mul3A_160 = arith.muli %mul3A_159, %mul3A_2 : i32
    %add3A_161 = arith.constant 128 : i32
    %add3A_162 = arith.addi %mul3A_160, %add3A_161 : i32
    %add3A_163 = arith.constant 3 : i32
    %add3A_164 = arith.addi %add3A_162, %add3A_163 : i32
    %add3A_165 = vector.broadcast %add3A_164 : i32 to vector<16xi32>
    %add3A_166 = arith.addi %add3A_165, %mul3A_5 : vector<16xi32>
    %swap3A_167 = arith.constant 11 : i32
    %swap3A_168 = arith.index_cast %swap3A_167 : i32 to index
    %swap3A_169 = arith.constant 0 : index
    %swap3A_170 = tpu.vector_load %arg6[%swap3A_168, %swap3A_169] {strides = array<i32>} : memref<16x16xi32, #tpu.memory_space<vmem>>, vector<1x16xi32>,
    %swap3A_171 = vector.shape_cast %swap3A_170 : vector<1x16xi32> to vector<16xi32>
    %swap3A_172 = vector.shape_cast %add3A_166 : vector<16xi32> to vector<1x16xi32>
    tpu.vector_store %arg6[%swap3A_168, %swap3A_169], %swap3A_172 {strides = array<i32>} : memref<16x16xi32, #tpu.memory_space<vmem>>, vector<1x16xi32>,
    %mul3A_173 = arith.constant 4 : i32
    %mul3A_174 = arith.muli %mul3A_173, %mul3A_2 : i32
    %add3A_175 = arith.constant 192 : i32
    %add3A_176 = arith.addi %mul3A_174, %add3A_175 : i32
    %add3A_177 = arith.constant 0 : i32
    %add3A_178 = arith.addi %add3A_176, %add3A_177 : i32
    %add3A_179 = vector.broadcast %add3A_178 : i32 to vector<16xi32>
    %add3A_180 = arith.addi %add3A_179, %mul3A_5 : vector<16xi32>
    %swap3A_181 = arith.constant 12 : i32
    %swap3A_182 = arith.index_cast %swap3A_181 : i32 to index
    %swap3A_183 = arith.constant 0 : index
    %swap3A_184 = tpu.vector_load %arg6[%swap3A_182, %swap3A_183] {strides = array<i32>} : memref<16x16xi32, #tpu.memory_space<vmem>>, vector<1x16xi32>,
    %swap3A_185 = vector.shape_cast %swap3A_184 : vector<1x16xi32> to vector<16xi32>
    %swap3A_186 = vector.shape_cast %add3A_180 : vector<16xi32> to vector<1x16xi32>
    tpu.vector_store %arg6[%swap3A_182, %swap3A_183], %swap3A_186 {strides = array<i32>} : memref<16x16xi32, #tpu.memory_space<vmem>>, vector<1x16xi32>,
    %mul3A_187 = arith.constant 4 : i32
    %mul3A_188 = arith.muli %mul3A_187, %mul3A_2 : i32
    %add3A_189 = arith.constant 192 : i32
    %add3A_190 = arith.addi %mul3A_188, %add3A_189 : i32
    %add3A_191 = arith.constant 1 : i32
    %add3A_192 = arith.addi %add3A_190, %add3A_191 : i32
    %add3A_193 = vector.broadcast %add3A_192 : i32 to vector<16xi32>
    %add3A_194 = arith.addi %add3A_193, %mul3A_5 : vector<16xi32>
    %swap3A_195 = arith.constant 13 : i32
    %swap3A_196 = arith.index_cast %swap3A_195 : i32 to index
    %swap3A_197 = arith.constant 0 : index
    %swap3A_198 = tpu.vector_load %arg6[%swap3A_196, %swap3A_197] {strides = array<i32>} : memref<16x16xi32, #tpu.memory_space<vmem>>, vector<1x16xi32>,
    %swap3A_199 = vector.shape_cast %swap3A_198 : vector<1x16xi32> to vector<16xi32>
    %swap3A_200 = vector.shape_cast %add3A_194 : vector<16xi32> to vector<1x16xi32>
    tpu.vector_store %arg6[%swap3A_196, %swap3A_197], %swap3A_200 {strides = array<i32>} : memref<16x16xi32, #tpu.memory_space<vmem>>, vector<1x16xi32>,
    %mul3A_201 = arith.constant 4 : i32
    %mul3A_202 = arith.muli %mul3A_201, %mul3A_2 : i32
    %add3A_203 = arith.constant 192 : i32
    %add3A_204 = arith.addi %mul3A_202, %add3A_203 : i32
    %add3A_205 = arith.constant 2 : i32
    %add3A_206 = arith.addi %add3A_204, %add3A_205 : i32
    %add3A_207 = vector.broadcast %add3A_206 : i32 to vector<16xi32>
    %add3A_208 = arith.addi %add3A_207, %mul3A_5 : vector<16xi32>
    %swap3A_209 = arith.constant 14 : i32
    %swap3A_210 = arith.index_cast %swap3A_209 : i32 to index
    %swap3A_211 = arith.constant 0 : index
    %swap3A_212 = tpu.vector_load %arg6[%swap3A_210, %swap3A_211] {strides = array<i32>} : memref<16x16xi32, #tpu.memory_space<vmem>>, vector<1x16xi32>,
    %swap3A_213 = vector.shape_cast %swap3A_212 : vector<1x16xi32> to vector<16xi32>
    %swap3A_214 = vector.shape_cast %add3A_208 : vector<16xi32> to vector<1x16xi32>
    tpu.vector_store %arg6[%swap3A_210, %swap3A_211], %swap3A_214 {strides = array<i32>} : memref<16x16xi32, #tpu.memory_space<vmem>>, vector<1x16xi32>,
    %mul3A_215 = arith.constant 4 : i32
    %mul3A_216 = arith.muli %mul3A_215, %mul3A_2 : i32
    %add3A_217 = arith.constant 192 : i32
    %add3A_218 = arith.addi %mul3A_216, %add3A_217 : i32
    %add3A_219 = arith.constant 3 : i32
    %add3A_220 = arith.addi %add3A_218, %add3A_219 : i32
    %add3A_221 = vector.broadcast %add3A_220 : i32 to vector<16xi32>
    %add3A_222 = arith.addi %add3A_221, %mul3A_5 : vector<16xi32>
    %swap3A_223 = arith.constant 15 : i32
    %swap3A_224 = arith.index_cast %swap3A_223 : i32 to index
    %swap3A_225 = arith.constant 0 : index
    %swap3A_226 = tpu.vector_load %arg6[%swap3A_224, %swap3A_225] {strides = array<i32>} : memref<16x16xi32, #tpu.memory_space<vmem>>, vector<1x16xi32>,
    %swap3A_227 = vector.shape_cast %swap3A_226 : vector<1x16xi32> to vector<16xi32>
    %swap3A_228 = vector.shape_cast %add3A_222 : vector<16xi32> to vector<1x16xi32>
    tpu.vector_store %arg6[%swap3A_224, %swap3A_225], %swap3A_228 {strides = array<i32>} : memref<16x16xi32, #tpu.memory_space<vmem>>, vector<1x16xi32>,
    %add3A_229 = arith.constant 0 : i32
    %add3A_230 = arith.addi %mul3A_2, %add3A_229 : i32
    %dma_start3A = arith.constant 0 : i32
    %dma_start3A_231 = tpu.memref_slice %arg2[%add3A_230, %dma_start3A] : memref<2048x2048xf32, #tpu.memory_space<hbm>> -> memref<16x2048xf32, #tpu.memory_space<hbm>>
    %dma_start3A_232 = arith.constant 0 : i32
    %dma_start3A_233 = tpu.memref_slice %arg2[%add3A_230, %dma_start3A_232] : memref<2048x2048xf32, #tpu.memory_space<hbm>> -> memref<16x2048xf32, #tpu.memory_space<hbm>>
    tpu.enqueue_dma source(%dma_start3A_233 : memref<16x2048xf32, #tpu.memory_space<hbm>>) target(%arg4 : memref<16x2048xf32, #tpu.memory_space<vmem>>) target_semaphore(%arg7 : memref<!tpu.dma_semaphore, #tpu.memory_space<semaphore_mem>>)
    %add3A_234 = arith.constant 16 : i32
    %add3A_235 = arith.addi %mul3A_2, %add3A_234 : i32
    %dma_start3A_236 = arith.constant 0 : i32
    %dma_start3A_237 = tpu.memref_slice %arg2[%add3A_235, %dma_start3A_236] : memref<2048x2048xf32, #tpu.memory_space<hbm>> -> memref<16x2048xf32, #tpu.memory_space<hbm>>
    %dma_start3A_238 = arith.constant 0 : i32
    %dma_start3A_239 = tpu.memref_slice %arg2[%add3A_235, %dma_start3A_238] : memref<2048x2048xf32, #tpu.memory_space<hbm>> -> memref<16x2048xf32, #tpu.memory_space<hbm>>
    tpu.enqueue_dma source(%dma_start3A_239 : memref<16x2048xf32, #tpu.memory_space<hbm>>) target(%arg5 : memref<16x2048xf32, #tpu.memory_space<vmem>>) target_semaphore(%arg8 : memref<!tpu.dma_semaphore, #tpu.memory_space<semaphore_mem>>)
    %dma_wait3A = arith.constant 0 : i32
    %dma_wait3A_240 = tpu.memref_slice %arg2[%add3A_230, %dma_wait3A] : memref<2048x2048xf32, #tpu.memory_space<hbm>> -> memref<16x2048xf32, #tpu.memory_space<hbm>>
    %dma_wait3A_241 = arith.constant 0 : i32
    %dma_wait3A_242 = tpu.memref_slice %arg2[%add3A_230, %dma_wait3A_241] : memref<2048x2048xf32, #tpu.memory_space<hbm>> -> memref<16x2048xf32, #tpu.memory_space<hbm>>
    tpu.wait_dma2 semaphore(%arg7 : memref<!tpu.dma_semaphore, #tpu.memory_space<semaphore_mem>>) src(%dma_wait3A_242 : memref<16x2048xf32, #tpu.memory_space<hbm>>) dst(%arg4 : memref<16x2048xf32, #tpu.memory_space<vmem>>)
    %dma_start3A_243 = arith.constant 0 : i32
    %dma_start3A_244 = arith.constant 0 : i32
    %dma_start3A_245 = tpu.memref_slice %arg6[%dma_start3A_243, %dma_start3A_244] : memref<16x16xi32, #tpu.memory_space<vmem>> -> memref<1x16xi32, #tpu.memory_space<vmem>>
    %dma_start3A_246 = tpu.memref_squeeze %dma_start3A_245 : memref<1x16xi32, #tpu.memory_space<vmem>> -> memref<16xi32, #tpu.memory_space<vmem>>
    %dma_start3A_247 = arith.constant 0 : i32
    %dma_start3A_248 = arith.constant 0 : i32
    %dma_start3A_249 = tpu.memref_slice %arg3[%dma_start3A_247, %dma_start3A_248] : memref<8192x2048xf32, #tpu.memory_space<hbm>> -> memref<8192x2048xf32, #tpu.memory_space<hbm>>
    tpu.enqueue_indirect_dma source(%arg4 : memref<16x2048xf32, #tpu.memory_space<vmem>>) target(%dma_start3A_249 : memref<8192x2048xf32, #tpu.memory_space<hbm>>) offsets(%dma_start3A_246 : memref<16xi32, #tpu.memory_space<vmem>>) semaphore(%arg9 : memref<!tpu.dma_semaphore, #tpu.memory_space<semaphore_mem>>)
    %dma_start3A_250 = arith.constant 1 : i32
    %dma_start3A_251 = arith.constant 0 : i32
    %dma_start3A_252 = tpu.memref_slice %arg6[%dma_start3A_250, %dma_start3A_251] : memref<16x16xi32, #tpu.memory_space<vmem>> -> memref<1x16xi32, #tpu.memory_space<vmem>>
    %dma_start3A_253 = tpu.memref_squeeze %dma_start3A_252 : memref<1x16xi32, #tpu.memory_space<vmem>> -> memref<16xi32, #tpu.memory_space<vmem>>
    %dma_start3A_254 = arith.constant 0 : i32
    %dma_start3A_255 = arith.constant 0 : i32
    %dma_start3A_256 = tpu.memref_slice %arg3[%dma_start3A_254, %dma_start3A_255] : memref<8192x2048xf32, #tpu.memory_space<hbm>> -> memref<8192x2048xf32, #tpu.memory_space<hbm>>
    tpu.enqueue_indirect_dma source(%arg4 : memref<16x2048xf32, #tpu.memory_space<vmem>>) target(%dma_start3A_256 : memref<8192x2048xf32, #tpu.memory_space<hbm>>) offsets(%dma_start3A_253 : memref<16xi32, #tpu.memory_space<vmem>>) semaphore(%arg9 : memref<!tpu.dma_semaphore, #tpu.memory_space<semaphore_mem>>)
    %dma_start3A_257 = arith.constant 2 : i32
    %dma_start3A_258 = arith.constant 0 : i32
    %dma_start3A_259 = tpu.memref_slice %arg6[%dma_start3A_257, %dma_start3A_258] : memref<16x16xi32, #tpu.memory_space<vmem>> -> memref<1x16xi32, #tpu.memory_space<vmem>>
    %dma_start3A_260 = tpu.memref_squeeze %dma_start3A_259 : memref<1x16xi32, #tpu.memory_space<vmem>> -> memref<16xi32, #tpu.memory_space<vmem>>
    %dma_start3A_261 = arith.constant 0 : i32
    %dma_start3A_262 = arith.constant 0 : i32
    %dma_start3A_263 = tpu.memref_slice %arg3[%dma_start3A_261, %dma_start3A_262] : memref<8192x2048xf32, #tpu.memory_space<hbm>> -> memref<8192x2048xf32, #tpu.memory_space<hbm>>
    tpu.enqueue_indirect_dma source(%arg4 : memref<16x2048xf32, #tpu.memory_space<vmem>>) target(%dma_start3A_263 : memref<8192x2048xf32, #tpu.memory_space<hbm>>) offsets(%dma_start3A_260 : memref<16xi32, #tpu.memory_space<vmem>>) semaphore(%arg9 : memref<!tpu.dma_semaphore, #tpu.memory_space<semaphore_mem>>)
    %dma_start3A_264 = arith.constant 3 : i32
    %dma_start3A_265 = arith.constant 0 : i32
    %dma_start3A_266 = tpu.memref_slice %arg6[%dma_start3A_264, %dma_start3A_265] : memref<16x16xi32, #tpu.memory_space<vmem>> -> memref<1x16xi32, #tpu.memory_space<vmem>>
    %dma_start3A_267 = tpu.memref_squeeze %dma_start3A_266 : memref<1x16xi32, #tpu.memory_space<vmem>> -> memref<16xi32, #tpu.memory_space<vmem>>
    %dma_start3A_268 = arith.constant 0 : i32
    %dma_start3A_269 = arith.constant 0 : i32
    %dma_start3A_270 = tpu.memref_slice %arg3[%dma_start3A_268, %dma_start3A_269] : memref<8192x2048xf32, #tpu.memory_space<hbm>> -> memref<8192x2048xf32, #tpu.memory_space<hbm>>
    tpu.enqueue_indirect_dma source(%arg4 : memref<16x2048xf32, #tpu.memory_space<vmem>>) target(%dma_start3A_270 : memref<8192x2048xf32, #tpu.memory_space<hbm>>) offsets(%dma_start3A_267 : memref<16xi32, #tpu.memory_space<vmem>>) semaphore(%arg9 : memref<!tpu.dma_semaphore, #tpu.memory_space<semaphore_mem>>)
    %dma_wait3A_271 = arith.constant 0 : i32
    %dma_wait3A_272 = arith.constant 0 : i32
    %dma_wait3A_273 = tpu.memref_slice %arg6[%dma_wait3A_271, %dma_wait3A_272] : memref<16x16xi32, #tpu.memory_space<vmem>> -> memref<1x16xi32, #tpu.memory_space<vmem>>
    %dma_wait3A_274 = tpu.memref_squeeze %dma_wait3A_273 : memref<1x16xi32, #tpu.memory_space<vmem>> -> memref<16xi32, #tpu.memory_space<vmem>>
    %dma_wait3A_275 = arith.constant 0 : i32
    %dma_wait3A_276 = arith.constant 0 : i32
    %dma_wait3A_277 = tpu.memref_slice %arg3[%dma_wait3A_275, %dma_wait3A_276] : memref<8192x2048xf32, #tpu.memory_space<hbm>> -> memref<8192x2048xf32, #tpu.memory_space<hbm>>
    tpu.wait_indirect_dma semaphore(%arg9 : memref<!tpu.dma_semaphore, #tpu.memory_space<semaphore_mem>>) src(%arg4 : memref<16x2048xf32, #tpu.memory_space<vmem>>) dst(%dma_wait3A_277 : memref<8192x2048xf32, #tpu.memory_space<hbm>>)
    %dma_wait3A_278 = arith.constant 1 : i32
    %dma_wait3A_279 = arith.constant 0 : i32
    %dma_wait3A_280 = tpu.memref_slice %arg6[%dma_wait3A_278, %dma_wait3A_279] : memref<16x16xi32, #tpu.memory_space<vmem>> -> memref<1x16xi32, #tpu.memory_space<vmem>>
    %dma_wait3A_281 = tpu.memref_squeeze %dma_wait3A_280 : memref<1x16xi32, #tpu.memory_space<vmem>> -> memref<16xi32, #tpu.memory_space<vmem>>
    %dma_wait3A_282 = arith.constant 0 : i32
    %dma_wait3A_283 = arith.constant 0 : i32
    %dma_wait3A_284 = tpu.memref_slice %arg3[%dma_wait3A_282, %dma_wait3A_283] : memref<8192x2048xf32, #tpu.memory_space<hbm>> -> memref<8192x2048xf32, #tpu.memory_space<hbm>>
    tpu.wait_indirect_dma semaphore(%arg9 : memref<!tpu.dma_semaphore, #tpu.memory_space<semaphore_mem>>) src(%arg4 : memref<16x2048xf32, #tpu.memory_space<vmem>>) dst(%dma_wait3A_284 : memref<8192x2048xf32, #tpu.memory_space<hbm>>)
    %dma_wait3A_285 = arith.constant 2 : i32
    %dma_wait3A_286 = arith.constant 0 : i32
    %dma_wait3A_287 = tpu.memref_slice %arg6[%dma_wait3A_285, %dma_wait3A_286] : memref<16x16xi32, #tpu.memory_space<vmem>> -> memref<1x16xi32, #tpu.memory_space<vmem>>
    %dma_wait3A_288 = tpu.memref_squeeze %dma_wait3A_287 : memref<1x16xi32, #tpu.memory_space<vmem>> -> memref<16xi32, #tpu.memory_space<vmem>>
    %dma_wait3A_289 = arith.constant 0 : i32
    %dma_wait3A_290 = arith.constant 0 : i32
    %dma_wait3A_291 = tpu.memref_slice %arg3[%dma_wait3A_289, %dma_wait3A_290] : memref<8192x2048xf32, #tpu.memory_space<hbm>> -> memref<8192x2048xf32, #tpu.memory_space<hbm>>
    tpu.wait_indirect_dma semaphore(%arg9 : memref<!tpu.dma_semaphore, #tpu.memory_space<semaphore_mem>>) src(%arg4 : memref<16x2048xf32, #tpu.memory_space<vmem>>) dst(%dma_wait3A_291 : memref<8192x2048xf32, #tpu.memory_space<hbm>>)
    %dma_wait3A_292 = arith.constant 3 : i32
    %dma_wait3A_293 = arith.constant 0 : i32
    %dma_wait3A_294 = tpu.memref_slice %arg6[%dma_wait3A_292, %dma_wait3A_293] : memref<16x16xi32, #tpu.memory_space<vmem>> -> memref<1x16xi32, #tpu.memory_space<vmem>>
    %dma_wait3A_295 = tpu.memref_squeeze %dma_wait3A_294 : memref<1x16xi32, #tpu.memory_space<vmem>> -> memref<16xi32, #tpu.memory_space<vmem>>
    %dma_wait3A_296 = arith.constant 0 : i32
    %dma_wait3A_297 = arith.constant 0 : i32
    %dma_wait3A_298 = tpu.memref_slice %arg3[%dma_wait3A_296, %dma_wait3A_297] : memref<8192x2048xf32, #tpu.memory_space<hbm>> -> memref<8192x2048xf32, #tpu.memory_space<hbm>>
    tpu.wait_indirect_dma semaphore(%arg9 : memref<!tpu.dma_semaphore, #tpu.memory_space<semaphore_mem>>) src(%arg4 : memref<16x2048xf32, #tpu.memory_space<vmem>>) dst(%dma_wait3A_298 : memref<8192x2048xf32, #tpu.memory_space<hbm>>)
    %add3A_299 = arith.constant 32 : i32
    %add3A_300 = arith.addi %mul3A_2, %add3A_299 : i32
    %dma_start3A_301 = arith.constant 0 : i32
    %dma_start3A_302 = tpu.memref_slice %arg2[%add3A_300, %dma_start3A_301] : memref<2048x2048xf32, #tpu.memory_space<hbm>> -> memref<16x2048xf32, #tpu.memory_space<hbm>>
    %dma_start3A_303 = arith.constant 0 : i32
    %dma_start3A_304 = tpu.memref_slice %arg2[%add3A_300, %dma_start3A_303] : memref<2048x2048xf32, #tpu.memory_space<hbm>> -> memref<16x2048xf32, #tpu.memory_space<hbm>>
    tpu.enqueue_dma source(%dma_start3A_304 : memref<16x2048xf32, #tpu.memory_space<hbm>>) target(%arg4 : memref<16x2048xf32, #tpu.memory_space<vmem>>) target_semaphore(%arg7 : memref<!tpu.dma_semaphore, #tpu.memory_space<semaphore_mem>>)
    %dma_wait3A_305 = arith.constant 0 : i32
    %dma_wait3A_306 = tpu.memref_slice %arg2[%add3A_235, %dma_wait3A_305] : memref<2048x2048xf32, #tpu.memory_space<hbm>> -> memref<16x2048xf32, #tpu.memory_space<hbm>>
    %dma_wait3A_307 = arith.constant 0 : i32
    %dma_wait3A_308 = tpu.memref_slice %arg2[%add3A_235, %dma_wait3A_307] : memref<2048x2048xf32, #tpu.memory_space<hbm>> -> memref<16x2048xf32, #tpu.memory_space<hbm>>
    tpu.wait_dma2 semaphore(%arg8 : memref<!tpu.dma_semaphore, #tpu.memory_space<semaphore_mem>>) src(%dma_wait3A_308 : memref<16x2048xf32, #tpu.memory_space<hbm>>) dst(%arg5 : memref<16x2048xf32, #tpu.memory_space<vmem>>)
    %dma_start3A_309 = arith.constant 4 : i32
    %dma_start3A_310 = arith.constant 0 : i32
    %dma_start3A_311 = tpu.memref_slice %arg6[%dma_start3A_309, %dma_start3A_310] : memref<16x16xi32, #tpu.memory_space<vmem>> -> memref<1x16xi32, #tpu.memory_space<vmem>>
    %dma_start3A_312 = tpu.memref_squeeze %dma_start3A_311 : memref<1x16xi32, #tpu.memory_space<vmem>> -> memref<16xi32, #tpu.memory_space<vmem>>
    %dma_start3A_313 = arith.constant 0 : i32
    %dma_start3A_314 = arith.constant 0 : i32
    %dma_start3A_315 = tpu.memref_slice %arg3[%dma_start3A_313, %dma_start3A_314] : memref<8192x2048xf32, #tpu.memory_space<hbm>> -> memref<8192x2048xf32, #tpu.memory_space<hbm>>
    tpu.enqueue_indirect_dma source(%arg5 : memref<16x2048xf32, #tpu.memory_space<vmem>>) target(%dma_start3A_315 : memref<8192x2048xf32, #tpu.memory_space<hbm>>) offsets(%dma_start3A_312 : memref<16xi32, #tpu.memory_space<vmem>>) semaphore(%arg10 : memref<!tpu.dma_semaphore, #tpu.memory_space<semaphore_mem>>)
    %dma_start3A_316 = arith.constant 5 : i32
    %dma_start3A_317 = arith.constant 0 : i32
    %dma_start3A_318 = tpu.memref_slice %arg6[%dma_start3A_316, %dma_start3A_317] : memref<16x16xi32, #tpu.memory_space<vmem>> -> memref<1x16xi32, #tpu.memory_space<vmem>>
    %dma_start3A_319 = tpu.memref_squeeze %dma_start3A_318 : memref<1x16xi32, #tpu.memory_space<vmem>> -> memref<16xi32, #tpu.memory_space<vmem>>
    %dma_start3A_320 = arith.constant 0 : i32
    %dma_start3A_321 = arith.constant 0 : i32
    %dma_start3A_322 = tpu.memref_slice %arg3[%dma_start3A_320, %dma_start3A_321] : memref<8192x2048xf32, #tpu.memory_space<hbm>> -> memref<8192x2048xf32, #tpu.memory_space<hbm>>
    tpu.enqueue_indirect_dma source(%arg5 : memref<16x2048xf32, #tpu.memory_space<vmem>>) target(%dma_start3A_322 : memref<8192x2048xf32, #tpu.memory_space<hbm>>) offsets(%dma_start3A_319 : memref<16xi32, #tpu.memory_space<vmem>>) semaphore(%arg10 : memref<!tpu.dma_semaphore, #tpu.memory_space<semaphore_mem>>)
    %dma_start3A_323 = arith.constant 6 : i32
    %dma_start3A_324 = arith.constant 0 : i32
    %dma_start3A_325 = tpu.memref_slice %arg6[%dma_start3A_323, %dma_start3A_324] : memref<16x16xi32, #tpu.memory_space<vmem>> -> memref<1x16xi32, #tpu.memory_space<vmem>>
    %dma_start3A_326 = tpu.memref_squeeze %dma_start3A_325 : memref<1x16xi32, #tpu.memory_space<vmem>> -> memref<16xi32, #tpu.memory_space<vmem>>
    %dma_start3A_327 = arith.constant 0 : i32
    %dma_start3A_328 = arith.constant 0 : i32
    %dma_start3A_329 = tpu.memref_slice %arg3[%dma_start3A_327, %dma_start3A_328] : memref<8192x2048xf32, #tpu.memory_space<hbm>> -> memref<8192x2048xf32, #tpu.memory_space<hbm>>
    tpu.enqueue_indirect_dma source(%arg5 : memref<16x2048xf32, #tpu.memory_space<vmem>>) target(%dma_start3A_329 : memref<8192x2048xf32, #tpu.memory_space<hbm>>) offsets(%dma_start3A_326 : memref<16xi32, #tpu.memory_space<vmem>>) semaphore(%arg10 : memref<!tpu.dma_semaphore, #tpu.memory_space<semaphore_mem>>)
    %dma_start3A_330 = arith.constant 7 : i32
    %dma_start3A_331 = arith.constant 0 : i32
    %dma_start3A_332 = tpu.memref_slice %arg6[%dma_start3A_330, %dma_start3A_331] : memref<16x16xi32, #tpu.memory_space<vmem>> -> memref<1x16xi32, #tpu.memory_space<vmem>>
    %dma_start3A_333 = tpu.memref_squeeze %dma_start3A_332 : memref<1x16xi32, #tpu.memory_space<vmem>> -> memref<16xi32, #tpu.memory_space<vmem>>
    %dma_start3A_334 = arith.constant 0 : i32
    %dma_start3A_335 = arith.constant 0 : i32
    %dma_start3A_336 = tpu.memref_slice %arg3[%dma_start3A_334, %dma_start3A_335] : memref<8192x2048xf32, #tpu.memory_space<hbm>> -> memref<8192x2048xf32, #tpu.memory_space<hbm>>
    tpu.enqueue_indirect_dma source(%arg5 : memref<16x2048xf32, #tpu.memory_space<vmem>>) target(%dma_start3A_336 : memref<8192x2048xf32, #tpu.memory_space<hbm>>) offsets(%dma_start3A_333 : memref<16xi32, #tpu.memory_space<vmem>>) semaphore(%arg10 : memref<!tpu.dma_semaphore, #tpu.memory_space<semaphore_mem>>)
    %dma_wait3A_337 = arith.constant 4 : i32
    %dma_wait3A_338 = arith.constant 0 : i32
    %dma_wait3A_339 = tpu.memref_slice %arg6[%dma_wait3A_337, %dma_wait3A_338] : memref<16x16xi32, #tpu.memory_space<vmem>> -> memref<1x16xi32, #tpu.memory_space<vmem>>
    %dma_wait3A_340 = tpu.memref_squeeze %dma_wait3A_339 : memref<1x16xi32, #tpu.memory_space<vmem>> -> memref<16xi32, #tpu.memory_space<vmem>>
    %dma_wait3A_341 = arith.constant 0 : i32
    %dma_wait3A_342 = arith.constant 0 : i32
    %dma_wait3A_343 = tpu.memref_slice %arg3[%dma_wait3A_341, %dma_wait3A_342] : memref<8192x2048xf32, #tpu.memory_space<hbm>> -> memref<8192x2048xf32, #tpu.memory_space<hbm>>
    tpu.wait_indirect_dma semaphore(%arg10 : memref<!tpu.dma_semaphore, #tpu.memory_space<semaphore_mem>>) src(%arg5 : memref<16x2048xf32, #tpu.memory_space<vmem>>) dst(%dma_wait3A_343 : memref<8192x2048xf32, #tpu.memory_space<hbm>>)
    %dma_wait3A_344 = arith.constant 5 : i32
    %dma_wait3A_345 = arith.constant 0 : i32
    %dma_wait3A_346 = tpu.memref_slice %arg6[%dma_wait3A_344, %dma_wait3A_345] : memref<16x16xi32, #tpu.memory_space<vmem>> -> memref<1x16xi32, #tpu.memory_space<vmem>>
    %dma_wait3A_347 = tpu.memref_squeeze %dma_wait3A_346 : memref<1x16xi32, #tpu.memory_space<vmem>> -> memref<16xi32, #tpu.memory_space<vmem>>
    %dma_wait3A_348 = arith.constant 0 : i32
    %dma_wait3A_349 = arith.constant 0 : i32
    %dma_wait3A_350 = tpu.memref_slice %arg3[%dma_wait3A_348, %dma_wait3A_349] : memref<8192x2048xf32, #tpu.memory_space<hbm>> -> memref<8192x2048xf32, #tpu.memory_space<hbm>>
    tpu.wait_indirect_dma semaphore(%arg10 : memref<!tpu.dma_semaphore, #tpu.memory_space<semaphore_mem>>) src(%arg5 : memref<16x2048xf32, #tpu.memory_space<vmem>>) dst(%dma_wait3A_350 : memref<8192x2048xf32, #tpu.memory_space<hbm>>)
    %dma_wait3A_351 = arith.constant 6 : i32
    %dma_wait3A_352 = arith.constant 0 : i32
    %dma_wait3A_353 = tpu.memref_slice %arg6[%dma_wait3A_351, %dma_wait3A_352] : memref<16x16xi32, #tpu.memory_space<vmem>> -> memref<1x16xi32, #tpu.memory_space<vmem>>
    %dma_wait3A_354 = tpu.memref_squeeze %dma_wait3A_353 : memref<1x16xi32, #tpu.memory_space<vmem>> -> memref<16xi32, #tpu.memory_space<vmem>>
    %dma_wait3A_355 = arith.constant 0 : i32
    %dma_wait3A_356 = arith.constant 0 : i32
    %dma_wait3A_357 = tpu.memref_slice %arg3[%dma_wait3A_355, %dma_wait3A_356] : memref<8192x2048xf32, #tpu.memory_space<hbm>> -> memref<8192x2048xf32, #tpu.memory_space<hbm>>
    tpu.wait_indirect_dma semaphore(%arg10 : memref<!tpu.dma_semaphore, #tpu.memory_space<semaphore_mem>>) src(%arg5 : memref<16x2048xf32, #tpu.memory_space<vmem>>) dst(%dma_wait3A_357 : memref<8192x2048xf32, #tpu.memory_space<hbm>>)
    %dma_wait3A_358 = arith.constant 7 : i32
    %dma_wait3A_359 = arith.constant 0 : i32
    %dma_wait3A_360 = tpu.memref_slice %arg6[%dma_wait3A_358, %dma_wait3A_359] : memref<16x16xi32, #tpu.memory_space<vmem>> -> memref<1x16xi32, #tpu.memory_space<vmem>>
    %dma_wait3A_361 = tpu.memref_squeeze %dma_wait3A_360 : memref<1x16xi32, #tpu.memory_space<vmem>> -> memref<16xi32, #tpu.memory_space<vmem>>
    %dma_wait3A_362 = arith.constant 0 : i32
    %dma_wait3A_363 = arith.constant 0 : i32
    %dma_wait3A_364 = tpu.memref_slice %arg3[%dma_wait3A_362, %dma_wait3A_363] : memref<8192x2048xf32, #tpu.memory_space<hbm>> -> memref<8192x2048xf32, #tpu.memory_space<hbm>>
    tpu.wait_indirect_dma semaphore(%arg10 : memref<!tpu.dma_semaphore, #tpu.memory_space<semaphore_mem>>) src(%arg5 : memref<16x2048xf32, #tpu.memory_space<vmem>>) dst(%dma_wait3A_364 : memref<8192x2048xf32, #tpu.memory_space<hbm>>)
    %add3A_365 = arith.constant 48 : i32
    %add3A_366 = arith.addi %mul3A_2, %add3A_365 : i32
    %dma_start3A_367 = arith.constant 0 : i32
    %dma_start3A_368 = tpu.memref_slice %arg2[%add3A_366, %dma_start3A_367] : memref<2048x2048xf32, #tpu.memory_space<hbm>> -> memref<16x2048xf32, #tpu.memory_space<hbm>>
    %dma_start3A_369 = arith.constant 0 : i32
    %dma_start3A_370 = tpu.memref_slice %arg2[%add3A_366, %dma_start3A_369] : memref<2048x2048xf32, #tpu.memory_space<hbm>> -> memref<16x2048xf32, #tpu.memory_space<hbm>>
    tpu.enqueue_dma source(%dma_start3A_370 : memref<16x2048xf32, #tpu.memory_space<hbm>>) target(%arg5 : memref<16x2048xf32, #tpu.memory_space<vmem>>) target_semaphore(%arg8 : memref<!tpu.dma_semaphore, #tpu.memory_space<semaphore_mem>>)
    %dma_wait3A_371 = arith.constant 0 : i32
    %dma_wait3A_372 = tpu.memref_slice %arg2[%add3A_300, %dma_wait3A_371] : memref<2048x2048xf32, #tpu.memory_space<hbm>> -> memref<16x2048xf32, #tpu.memory_space<hbm>>
    %dma_wait3A_373 = arith.constant 0 : i32
    %dma_wait3A_374 = tpu.memref_slice %arg2[%add3A_300, %dma_wait3A_373] : memref<2048x2048xf32, #tpu.memory_space<hbm>> -> memref<16x2048xf32, #tpu.memory_space<hbm>>
    tpu.wait_dma2 semaphore(%arg7 : memref<!tpu.dma_semaphore, #tpu.memory_space<semaphore_mem>>) src(%dma_wait3A_374 : memref<16x2048xf32, #tpu.memory_space<hbm>>) dst(%arg4 : memref<16x2048xf32, #tpu.memory_space<vmem>>)
    %dma_start3A_375 = arith.constant 8 : i32
    %dma_start3A_376 = arith.constant 0 : i32
    %dma_start3A_377 = tpu.memref_slice %arg6[%dma_start3A_375, %dma_start3A_376] : memref<16x16xi32, #tpu.memory_space<vmem>> -> memref<1x16xi32, #tpu.memory_space<vmem>>
    %dma_start3A_378 = tpu.memref_squeeze %dma_start3A_377 : memref<1x16xi32, #tpu.memory_space<vmem>> -> memref<16xi32, #tpu.memory_space<vmem>>
    %dma_start3A_379 = arith.constant 0 : i32
    %dma_start3A_380 = arith.constant 0 : i32
    %dma_start3A_381 = tpu.memref_slice %arg3[%dma_start3A_379, %dma_start3A_380] : memref<8192x2048xf32, #tpu.memory_space<hbm>> -> memref<8192x2048xf32, #tpu.memory_space<hbm>>
    tpu.enqueue_indirect_dma source(%arg4 : memref<16x2048xf32, #tpu.memory_space<vmem>>) target(%dma_start3A_381 : memref<8192x2048xf32, #tpu.memory_space<hbm>>) offsets(%dma_start3A_378 : memref<16xi32, #tpu.memory_space<vmem>>) semaphore(%arg9 : memref<!tpu.dma_semaphore, #tpu.memory_space<semaphore_mem>>)
    %dma_start3A_382 = arith.constant 9 : i32
    %dma_start3A_383 = arith.constant 0 : i32
    %dma_start3A_384 = tpu.memref_slice %arg6[%dma_start3A_382, %dma_start3A_383] : memref<16x16xi32, #tpu.memory_space<vmem>> -> memref<1x16xi32, #tpu.memory_space<vmem>>
    %dma_start3A_385 = tpu.memref_squeeze %dma_start3A_384 : memref<1x16xi32, #tpu.memory_space<vmem>> -> memref<16xi32, #tpu.memory_space<vmem>>
    %dma_start3A_386 = arith.constant 0 : i32
    %dma_start3A_387 = arith.constant 0 : i32
    %dma_start3A_388 = tpu.memref_slice %arg3[%dma_start3A_386, %dma_start3A_387] : memref<8192x2048xf32, #tpu.memory_space<hbm>> -> memref<8192x2048xf32, #tpu.memory_space<hbm>>
    tpu.enqueue_indirect_dma source(%arg4 : memref<16x2048xf32, #tpu.memory_space<vmem>>) target(%dma_start3A_388 : memref<8192x2048xf32, #tpu.memory_space<hbm>>) offsets(%dma_start3A_385 : memref<16xi32, #tpu.memory_space<vmem>>) semaphore(%arg9 : memref<!tpu.dma_semaphore, #tpu.memory_space<semaphore_mem>>)
    %dma_start3A_389 = arith.constant 10 : i32
    %dma_start3A_390 = arith.constant 0 : i32
    %dma_start3A_391 = tpu.memref_slice %arg6[%dma_start3A_389, %dma_start3A_390] : memref<16x16xi32, #tpu.memory_space<vmem>> -> memref<1x16xi32, #tpu.memory_space<vmem>>
    %dma_start3A_392 = tpu.memref_squeeze %dma_start3A_391 : memref<1x16xi32, #tpu.memory_space<vmem>> -> memref<16xi32, #tpu.memory_space<vmem>>
    %dma_start3A_393 = arith.constant 0 : i32
    %dma_start3A_394 = arith.constant 0 : i32
    %dma_start3A_395 = tpu.memref_slice %arg3[%dma_start3A_393, %dma_start3A_394] : memref<8192x2048xf32, #tpu.memory_space<hbm>> -> memref<8192x2048xf32, #tpu.memory_space<hbm>>
    tpu.enqueue_indirect_dma source(%arg4 : memref<16x2048xf32, #tpu.memory_space<vmem>>) target(%dma_start3A_395 : memref<8192x2048xf32, #tpu.memory_space<hbm>>) offsets(%dma_start3A_392 : memref<16xi32, #tpu.memory_space<vmem>>) semaphore(%arg9 : memref<!tpu.dma_semaphore, #tpu.memory_space<semaphore_mem>>)
    %dma_start3A_396 = arith.constant 11 : i32
    %dma_start3A_397 = arith.constant 0 : i32
    %dma_start3A_398 = tpu.memref_slice %arg6[%dma_start3A_396, %dma_start3A_397] : memref<16x16xi32, #tpu.memory_space<vmem>> -> memref<1x16xi32, #tpu.memory_space<vmem>>
    %dma_start3A_399 = tpu.memref_squeeze %dma_start3A_398 : memref<1x16xi32, #tpu.memory_space<vmem>> -> memref<16xi32, #tpu.memory_space<vmem>>
    %dma_start3A_400 = arith.constant 0 : i32
    %dma_start3A_401 = arith.constant 0 : i32
    %dma_start3A_402 = tpu.memref_slice %arg3[%dma_start3A_400, %dma_start3A_401] : memref<8192x2048xf32, #tpu.memory_space<hbm>> -> memref<8192x2048xf32, #tpu.memory_space<hbm>>
    tpu.enqueue_indirect_dma source(%arg4 : memref<16x2048xf32, #tpu.memory_space<vmem>>) target(%dma_start3A_402 : memref<8192x2048xf32, #tpu.memory_space<hbm>>) offsets(%dma_start3A_399 : memref<16xi32, #tpu.memory_space<vmem>>) semaphore(%arg9 : memref<!tpu.dma_semaphore, #tpu.memory_space<semaphore_mem>>)
    %dma_wait3A_403 = arith.constant 0 : i32
    %dma_wait3A_404 = tpu.memref_slice %arg2[%add3A_366, %dma_wait3A_403] : memref<2048x2048xf32, #tpu.memory_space<hbm>> -> memref<16x2048xf32, #tpu.memory_space<hbm>>
    %dma_wait3A_405 = arith.constant 0 : i32
    %dma_wait3A_406 = tpu.memref_slice %arg2[%add3A_366, %dma_wait3A_405] : memref<2048x2048xf32, #tpu.memory_space<hbm>> -> memref<16x2048xf32, #tpu.memory_space<hbm>>
    tpu.wait_dma2 semaphore(%arg8 : memref<!tpu.dma_semaphore, #tpu.memory_space<semaphore_mem>>) src(%dma_wait3A_406 : memref<16x2048xf32, #tpu.memory_space<hbm>>) dst(%arg5 : memref<16x2048xf32, #tpu.memory_space<vmem>>)
    %dma_start3A_407 = arith.constant 12 : i32
    %dma_start3A_408 = arith.constant 0 : i32
    %dma_start3A_409 = tpu.memref_slice %arg6[%dma_start3A_407, %dma_start3A_408] : memref<16x16xi32, #tpu.memory_space<vmem>> -> memref<1x16xi32, #tpu.memory_space<vmem>>
    %dma_start3A_410 = tpu.memref_squeeze %dma_start3A_409 : memref<1x16xi32, #tpu.memory_space<vmem>> -> memref<16xi32, #tpu.memory_space<vmem>>
    %dma_start3A_411 = arith.constant 0 : i32
    %dma_start3A_412 = arith.constant 0 : i32
    %dma_start3A_413 = tpu.memref_slice %arg3[%dma_start3A_411, %dma_start3A_412] : memref<8192x2048xf32, #tpu.memory_space<hbm>> -> memref<8192x2048xf32, #tpu.memory_space<hbm>>
    tpu.enqueue_indirect_dma source(%arg5 : memref<16x2048xf32, #tpu.memory_space<vmem>>) target(%dma_start3A_413 : memref<8192x2048xf32, #tpu.memory_space<hbm>>) offsets(%dma_start3A_410 : memref<16xi32, #tpu.memory_space<vmem>>) semaphore(%arg10 : memref<!tpu.dma_semaphore, #tpu.memory_space<semaphore_mem>>)
    %dma_start3A_414 = arith.constant 13 : i32
    %dma_start3A_415 = arith.constant 0 : i32
    %dma_start3A_416 = tpu.memref_slice %arg6[%dma_start3A_414, %dma_start3A_415] : memref<16x16xi32, #tpu.memory_space<vmem>> -> memref<1x16xi32, #tpu.memory_space<vmem>>
    %dma_start3A_417 = tpu.memref_squeeze %dma_start3A_416 : memref<1x16xi32, #tpu.memory_space<vmem>> -> memref<16xi32, #tpu.memory_space<vmem>>
    %dma_start3A_418 = arith.constant 0 : i32
    %dma_start3A_419 = arith.constant 0 : i32
    %dma_start3A_420 = tpu.memref_slice %arg3[%dma_start3A_418, %dma_start3A_419] : memref<8192x2048xf32, #tpu.memory_space<hbm>> -> memref<8192x2048xf32, #tpu.memory_space<hbm>>
    tpu.enqueue_indirect_dma source(%arg5 : memref<16x2048xf32, #tpu.memory_space<vmem>>) target(%dma_start3A_420 : memref<8192x2048xf32, #tpu.memory_space<hbm>>) offsets(%dma_start3A_417 : memref<16xi32, #tpu.memory_space<vmem>>) semaphore(%arg10 : memref<!tpu.dma_semaphore, #tpu.memory_space<semaphore_mem>>)
    %dma_start3A_421 = arith.constant 14 : i32
    %dma_start3A_422 = arith.constant 0 : i32
    %dma_start3A_423 = tpu.memref_slice %arg6[%dma_start3A_421, %dma_start3A_422] : memref<16x16xi32, #tpu.memory_space<vmem>> -> memref<1x16xi32, #tpu.memory_space<vmem>>
    %dma_start3A_424 = tpu.memref_squeeze %dma_start3A_423 : memref<1x16xi32, #tpu.memory_space<vmem>> -> memref<16xi32, #tpu.memory_space<vmem>>
    %dma_start3A_425 = arith.constant 0 : i32
    %dma_start3A_426 = arith.constant 0 : i32
    %dma_start3A_427 = tpu.memref_slice %arg3[%dma_start3A_425, %dma_start3A_426] : memref<8192x2048xf32, #tpu.memory_space<hbm>> -> memref<8192x2048xf32, #tpu.memory_space<hbm>>
    tpu.enqueue_indirect_dma source(%arg5 : memref<16x2048xf32, #tpu.memory_space<vmem>>) target(%dma_start3A_427 : memref<8192x2048xf32, #tpu.memory_space<hbm>>) offsets(%dma_start3A_424 : memref<16xi32, #tpu.memory_space<vmem>>) semaphore(%arg10 : memref<!tpu.dma_semaphore, #tpu.memory_space<semaphore_mem>>)
    %dma_start3A_428 = arith.constant 15 : i32
    %dma_start3A_429 = arith.constant 0 : i32
    %dma_start3A_430 = tpu.memref_slice %arg6[%dma_start3A_428, %dma_start3A_429] : memref<16x16xi32, #tpu.memory_space<vmem>> -> memref<1x16xi32, #tpu.memory_space<vmem>>
    %dma_start3A_431 = tpu.memref_squeeze %dma_start3A_430 : memref<1x16xi32, #tpu.memory_space<vmem>> -> memref<16xi32, #tpu.memory_space<vmem>>
    %dma_start3A_432 = arith.constant 0 : i32
    %dma_start3A_433 = arith.constant 0 : i32
    %dma_start3A_434 = tpu.memref_slice %arg3[%dma_start3A_432, %dma_start3A_433] : memref<8192x2048xf32, #tpu.memory_space<hbm>> -> memref<8192x2048xf32, #tpu.memory_space<hbm>>
    tpu.enqueue_indirect_dma source(%arg5 : memref<16x2048xf32, #tpu.memory_space<vmem>>) target(%dma_start3A_434 : memref<8192x2048xf32, #tpu.memory_space<hbm>>) offsets(%dma_start3A_431 : memref<16xi32, #tpu.memory_space<vmem>>) semaphore(%arg10 : memref<!tpu.dma_semaphore, #tpu.memory_space<semaphore_mem>>)
    %dma_wait3A_435 = arith.constant 8 : i32
    %dma_wait3A_436 = arith.constant 0 : i32
    %dma_wait3A_437 = tpu.memref_slice %arg6[%dma_wait3A_435, %dma_wait3A_436] : memref<16x16xi32, #tpu.memory_space<vmem>> -> memref<1x16xi32, #tpu.memory_space<vmem>>
    %dma_wait3A_438 = tpu.memref_squeeze %dma_wait3A_437 : memref<1x16xi32, #tpu.memory_space<vmem>> -> memref<16xi32, #tpu.memory_space<vmem>>
    %dma_wait3A_439 = arith.constant 0 : i32
    %dma_wait3A_440 = arith.constant 0 : i32
    %dma_wait3A_441 = tpu.memref_slice %arg3[%dma_wait3A_439, %dma_wait3A_440] : memref<8192x2048xf32, #tpu.memory_space<hbm>> -> memref<8192x2048xf32, #tpu.memory_space<hbm>>
    tpu.wait_indirect_dma semaphore(%arg9 : memref<!tpu.dma_semaphore, #tpu.memory_space<semaphore_mem>>) src(%arg4 : memref<16x2048xf32, #tpu.memory_space<vmem>>) dst(%dma_wait3A_441 : memref<8192x2048xf32, #tpu.memory_space<hbm>>)
    %dma_wait3A_442 = arith.constant 9 : i32
    %dma_wait3A_443 = arith.constant 0 : i32
    %dma_wait3A_444 = tpu.memref_slice %arg6[%dma_wait3A_442, %dma_wait3A_443] : memref<16x16xi32, #tpu.memory_space<vmem>> -> memref<1x16xi32, #tpu.memory_space<vmem>>
    %dma_wait3A_445 = tpu.memref_squeeze %dma_wait3A_444 : memref<1x16xi32, #tpu.memory_space<vmem>> -> memref<16xi32, #tpu.memory_space<vmem>>
    %dma_wait3A_446 = arith.constant 0 : i32
    %dma_wait3A_447 = arith.constant 0 : i32
    %dma_wait3A_448 = tpu.memref_slice %arg3[%dma_wait3A_446, %dma_wait3A_447] : memref<8192x2048xf32, #tpu.memory_space<hbm>> -> memref<8192x2048xf32, #tpu.memory_space<hbm>>
    tpu.wait_indirect_dma semaphore(%arg9 : memref<!tpu.dma_semaphore, #tpu.memory_space<semaphore_mem>>) src(%arg4 : memref<16x2048xf32, #tpu.memory_space<vmem>>) dst(%dma_wait3A_448 : memref<8192x2048xf32, #tpu.memory_space<hbm>>)
    %dma_wait3A_449 = arith.constant 10 : i32
    %dma_wait3A_450 = arith.constant 0 : i32
    %dma_wait3A_451 = tpu.memref_slice %arg6[%dma_wait3A_449, %dma_wait3A_450] : memref<16x16xi32, #tpu.memory_space<vmem>> -> memref<1x16xi32, #tpu.memory_space<vmem>>
    %dma_wait3A_452 = tpu.memref_squeeze %dma_wait3A_451 : memref<1x16xi32, #tpu.memory_space<vmem>> -> memref<16xi32, #tpu.memory_space<vmem>>
    %dma_wait3A_453 = arith.constant 0 : i32
    %dma_wait3A_454 = arith.constant 0 : i32
    %dma_wait3A_455 = tpu.memref_slice %arg3[%dma_wait3A_453, %dma_wait3A_454] : memref<8192x2048xf32, #tpu.memory_space<hbm>> -> memref<8192x2048xf32, #tpu.memory_space<hbm>>
    tpu.wait_indirect_dma semaphore(%arg9 : memref<!tpu.dma_semaphore, #tpu.memory_space<semaphore_mem>>) src(%arg4 : memref<16x2048xf32, #tpu.memory_space<vmem>>) dst(%dma_wait3A_455 : memref<8192x2048xf32, #tpu.memory_space<hbm>>)
    %dma_wait3A_456 = arith.constant 11 : i32
    %dma_wait3A_457 = arith.constant 0 : i32
    %dma_wait3A_458 = tpu.memref_slice %arg6[%dma_wait3A_456, %dma_wait3A_457] : memref<16x16xi32, #tpu.memory_space<vmem>> -> memref<1x16xi32, #tpu.memory_space<vmem>>
    %dma_wait3A_459 = tpu.memref_squeeze %dma_wait3A_458 : memref<1x16xi32, #tpu.memory_space<vmem>> -> memref<16xi32, #tpu.memory_space<vmem>>
    %dma_wait3A_460 = arith.constant 0 : i32
    %dma_wait3A_461 = arith.constant 0 : i32
    %dma_wait3A_462 = tpu.memref_slice %arg3[%dma_wait3A_460, %dma_wait3A_461] : memref<8192x2048xf32, #tpu.memory_space<hbm>> -> memref<8192x2048xf32, #tpu.memory_space<hbm>>
    tpu.wait_indirect_dma semaphore(%arg9 : memref<!tpu.dma_semaphore, #tpu.memory_space<semaphore_mem>>) src(%arg4 : memref<16x2048xf32, #tpu.memory_space<vmem>>) dst(%dma_wait3A_462 : memref<8192x2048xf32, #tpu.memory_space<hbm>>)
    %dma_wait3A_463 = arith.constant 12 : i32
    %dma_wait3A_464 = arith.constant 0 : i32
    %dma_wait3A_465 = tpu.memref_slice %arg6[%dma_wait3A_463, %dma_wait3A_464] : memref<16x16xi32, #tpu.memory_space<vmem>> -> memref<1x16xi32, #tpu.memory_space<vmem>>
    %dma_wait3A_466 = tpu.memref_squeeze %dma_wait3A_465 : memref<1x16xi32, #tpu.memory_space<vmem>> -> memref<16xi32, #tpu.memory_space<vmem>>
    %dma_wait3A_467 = arith.constant 0 : i32
    %dma_wait3A_468 = arith.constant 0 : i32
    %dma_wait3A_469 = tpu.memref_slice %arg3[%dma_wait3A_467, %dma_wait3A_468] : memref<8192x2048xf32, #tpu.memory_space<hbm>> -> memref<8192x2048xf32, #tpu.memory_space<hbm>>
    tpu.wait_indirect_dma semaphore(%arg10 : memref<!tpu.dma_semaphore, #tpu.memory_space<semaphore_mem>>) src(%arg5 : memref<16x2048xf32, #tpu.memory_space<vmem>>) dst(%dma_wait3A_469 : memref<8192x2048xf32, #tpu.memory_space<hbm>>)
    %dma_wait3A_470 = arith.constant 13 : i32
    %dma_wait3A_471 = arith.constant 0 : i32
    %dma_wait3A_472 = tpu.memref_slice %arg6[%dma_wait3A_470, %dma_wait3A_471] : memref<16x16xi32, #tpu.memory_space<vmem>> -> memref<1x16xi32, #tpu.memory_space<vmem>>
    %dma_wait3A_473 = tpu.memref_squeeze %dma_wait3A_472 : memref<1x16xi32, #tpu.memory_space<vmem>> -> memref<16xi32, #tpu.memory_space<vmem>>
    %dma_wait3A_474 = arith.constant 0 : i32
    %dma_wait3A_475 = arith.constant 0 : i32
    %dma_wait3A_476 = tpu.memref_slice %arg3[%dma_wait3A_474, %dma_wait3A_475] : memref<8192x2048xf32, #tpu.memory_space<hbm>> -> memref<8192x2048xf32, #tpu.memory_space<hbm>>
    tpu.wait_indirect_dma semaphore(%arg10 : memref<!tpu.dma_semaphore, #tpu.memory_space<semaphore_mem>>) src(%arg5 : memref<16x2048xf32, #tpu.memory_space<vmem>>) dst(%dma_wait3A_476 : memref<8192x2048xf32, #tpu.memory_space<hbm>>)
    %dma_wait3A_477 = arith.constant 14 : i32
    %dma_wait3A_478 = arith.constant 0 : i32
    %dma_wait3A_479 = tpu.memref_slice %arg6[%dma_wait3A_477, %dma_wait3A_478] : memref<16x16xi32, #tpu.memory_space<vmem>> -> memref<1x16xi32, #tpu.memory_space<vmem>>
    %dma_wait3A_480 = tpu.memref_squeeze %dma_wait3A_479 : memref<1x16xi32, #tpu.memory_space<vmem>> -> memref<16xi32, #tpu.memory_space<vmem>>
    %dma_wait3A_481 = arith.constant 0 : i32
    %dma_wait3A_482 = arith.constant 0 : i32
    %dma_wait3A_483 = tpu.memref_slice %arg3[%dma_wait3A_481, %dma_wait3A_482] : memref<8192x2048xf32, #tpu.memory_space<hbm>> -> memref<8192x2048xf32, #tpu.memory_space<hbm>>
    tpu.wait_indirect_dma semaphore(%arg10 : memref<!tpu.dma_semaphore, #tpu.memory_space<semaphore_mem>>) src(%arg5 : memref<16x2048xf32, #tpu.memory_space<vmem>>) dst(%dma_wait3A_483 : memref<8192x2048xf32, #tpu.memory_space<hbm>>)
    %dma_wait3A_484 = arith.constant 15 : i32
    %dma_wait3A_485 = arith.constant 0 : i32
    %dma_wait3A_486 = tpu.memref_slice %arg6[%dma_wait3A_484, %dma_wait3A_485] : memref<16x16xi32, #tpu.memory_space<vmem>> -> memref<1x16xi32, #tpu.memory_space<vmem>>
    %dma_wait3A_487 = tpu.memref_squeeze %dma_wait3A_486 : memref<1x16xi32, #tpu.memory_space<vmem>> -> memref<16xi32, #tpu.memory_space<vmem>>
    %dma_wait3A_488 = arith.constant 0 : i32
    %dma_wait3A_489 = arith.constant 0 : i32
    %dma_wait3A_490 = tpu.memref_slice %arg3[%dma_wait3A_488, %dma_wait3A_489] : memref<8192x2048xf32, #tpu.memory_space<hbm>> -> memref<8192x2048xf32, #tpu.memory_space<hbm>>
    tpu.wait_indirect_dma semaphore(%arg10 : memref<!tpu.dma_semaphore, #tpu.memory_space<semaphore_mem>>) src(%arg5 : memref<16x2048xf32, #tpu.memory_space<vmem>>) dst(%dma_wait3A_490 : memref<8192x2048xf32, #tpu.memory_space<hbm>>)
    return
  }
}

</mosaic_0001>

<sc_bundles>
// kernel: kernel.3.cloned.1.call-start
scs
__scs_entry_jumppad:
0x0: {  	(pc) =	sbr.rel $0x88, $3  }
0x1: {  	(tag) =	ssettag $0x0;
	lr =	simm.s32 $0x1  }
0x2: {  	[smem:$0x3FA0] =	sst lr;
	_ =	strace $0xD0000000  }
0x3: {  	_ = 	snop  }
0x4: {  	_ = 	snop  }
0x5: {  	_ = 	snop  }
0x6: {  	_ = 	snop  }
0x7: {  	_ = 	snop  }
__scs_overlays_trampoline_lowered:
0x8: {  	[smem:$0x3FAF] =	sst s0  }
0x9: {  	[smem:$0x3FB0] =	sst s1  }
0xa: {  	[smem:$0x3FB1] =	sst s2  }
0xb: {  	[smem:$0x3FB2] =	sst s3  }
0xc: {  	[smem:$0x3FB3] =	sst s4  }
0xd: {  	[smem:$0x3FB4] =	sst s5  }
0xe: {  	[smem:$0x3FB5] =	sst s6  }
0xf: {  	[smem:$0x3FB6] =	sst s7  }
0x10: {  	[smem:$0x3FB7] =	sst s8  }
0x11: {  	[smem:$0x3FB8] =	sst s9;
	s0 =	simm.s32 @!p0 $0x0  }
0x12: {  	s1 =	sld [smem:$0x3F9E];
	s0 =	simm.s32 @p0 $0x1  }
0x13: {  	[smem:$0x3FB9] =	sst s0;
	s0 =	simm.s32 @!p1 $0x0  }
0x14: {  	s2 =	sld [smem:$0x3F9D];
	s0 =	simm.s32 @p1 $0x1  }
0x15: {  	[smem:$0x3FBA] =	sst s0;
	s0 =	simm.s32 @!p2 $0x0  }
0x16: {  	s3 =	sld [smem:$0x3FDB];
	s0 =	simm.s32 @p2 $0x1  }
0x17: {  	s4 =	simm.s32 $0x1BF5;
	[smem:$0x3FBC] =	sst s0  }
0x18: {  	s0 =	sld [smem:$0x3F9F];
	_ =	swait.ge [sflag:s4], $0x0  }
0x19: {  	s7 =	sld [smem:$0x3FA0]  }
0x1a: {  	s8 =	sadd.s32 $0xFFFFE003, lr  }
0x1b: {  	s9 =	sadd.s32 $0xFFFFFEF7, lr;
	s5 =	simm.s32 $0xFFFFFFFF;
	p2 =	slt.u32 s8, $0xFFFFF086  }
0x1c: {  	p1 =	slt.u32 s9, $0xF7A;
	s5 =	simm.s32 @!p2 $0x0  }
0x1d: {  	s5 =	simm.s32 @p1 $0x1;
	p0 =	seq.s32 s7, s2  }
0x1e: {  	s7 =	smul.u32 @!p0 $0xF7A, s2;
	p2 =	seq.s32 @!p0 s5, $0x0  }
0x1f: {  	s9 =	smul.u32 $0xF7A, s1;
	s8 =	simm.s32 @!p0 $0x1BF5;
	p2 =	por !p2, p0  }
0x20: {  	[sflag:s8] =	ssyncset.s32 @!p0 $0xFFFFF086;
	s6 =	sadd.s32 @!p0 s3, s7;
	s7 =	simm.s32 @!p0 $0x108  }
0x21: {  	s3 =	sadd.s32 s3, s9;
	s6 =	sadd.s32 @!p0 $0x88, s6;
	s7 =	simm.s32 @p2 $0x1082  }
0x22: {  	[simem:s7], [sflag:s8] =	dma.local @!p0 [hbm:s6], $0xF7A  }
0x23: {  	s9 =	sor.u32 $0xD0000000, s2;
	s6 =	simm.s32 $0x108;
	_ =	swait.ge @!p0 [sflag:s8], $0x0  }
0x24: {  	s3 =	sadd.s32 $0x88, s3;
	s6 =	simm.s32 @!p1 $0x1082;
	[sflag:s4] =	ssyncset.s32 $0xFFFFF086  }
0x25: {  	[simem:s6], [sflag:s4] =	dma.local [hbm:s3], $0xF7A  }
0x26: {  	[smem:$0x3FA0] =	sst s1;
	(tag) =	ssettag s2;
	_ =	strace s9  }
0x27: {  	s1 =	sld [smem:$0x3FB0]  }
0x28: {  	s2 =	sld [smem:$0x3FB1]  }
0x29: {  	s4 =	sld [smem:$0x3FB3]  }
0x2a: {  	p0 =	seq.s32 s5, $0x0;
	s5 =	sld [smem:$0x3FB4]  }
0x2b: {  	s6 =	sld [smem:$0x3FB5]  }
0x2c: {  	s7 =	sld [smem:$0x3FB6]  }
0x2d: {  	s3 =	simm.s32 $0x108;
	s8 =	sld [smem:$0x3FB7]  }
0x2e: {  	s3 =	simm.s32 @!p0 $0x1082;
	s9 =	sld [smem:$0x3FB8]  }
0x2f: {  	lr =	sadd.s32 s0, s3;
	s0 =	sld [smem:$0x3FAF]  }
0x30: {  	s3 =	sld [smem:$0x3FB2]  }
0x31: {  	[smem:$0x3FBB] =	sst s10  }
0x32: {  	s10 =	sld [smem:$0x3FB9];
	_ =	sdelay $0x3  }
0x33: {  	p0 =	seq.s32 s10, $0x1;
	s10 =	sld [smem:$0x3FBB];
	_ =	sdelay $0x3  }
0x34: {  	[smem:$0x3FBB] =	sst s10  }
0x35: {  	s10 =	sld [smem:$0x3FBA];
	_ =	sdelay $0x3  }
0x36: {  	p1 =	seq.s32 s10, $0x1;
	s10 =	sld [smem:$0x3FBB];
	_ =	sdelay $0x3  }
0x37: {  	[smem:$0x3FBB] =	sst s10  }
0x38: {  	s10 =	sld [smem:$0x3FBC]  }
0x39: {  	_ = 	snop;
	(pc) =	sbr.ind lr, $3  }
0x3a: {  	_ = 	snop  }
0x3b: {  	_ = 	snop  }
0x3c: {  	p2 =	seq.s32 s10, $0x1;
	s10 =	sld [smem:$0x3FBB]  }
0x3d: {  	_ =	shalt  }
0x3e: {  	_ =	shalt  }
0x3f: {  	_ =	shalt  }
0x40: {  	_ =	shalt  }
0x41: {  	_ =	shalt  }
0x42: {  	_ =	shalt  }
0x43: {  	_ =	shalt  }
0x44: {  	_ =	shalt  }
0x45: {  	_ =	shalt  }
0x46: {  	_ =	shalt  }
0x47: {  	_ =	shalt  }
0x48: {  	_ =	shalt  }
0x49: {  	_ =	shalt  }
0x4a: {  	_ =	shalt  }
0x4b: {  	_ =	shalt  }
0x4c: {  	_ =	shalt  }
0x4d: {  	_ =	shalt  }
0x4e: {  	_ =	shalt  }
0x4f: {  	_ =	shalt  }
0x50: {  	_ =	shalt  }
0x51: {  	_ =	shalt  }
0x52: {  	_ =	shalt  }
0x53: {  	_ =	shalt  }
0x54: {  	_ =	shalt  }
0x55: {  	_ =	shalt  }
0x56: {  	_ =	shalt  }
0x57: {  	_ =	shalt  }
0x58: {  	_ =	shalt  }
0x59: {  	_ =	shalt  }
0x5a: {  	_ =	shalt  }
0x5b: {  	_ =	shalt  }
0x5c: {  	_ =	shalt  }
0x5d: {  	_ =	shalt  }
0x5e: {  	_ =	shalt  }
0x5f: {  	_ =	shalt  }
0x60: {  	_ =	shalt  }
0x61: {  	_ =	shalt  }
0x62: {  	_ =	shalt  }
0x63: {  	_ =	shalt  }
0x64: {  	_ =	shalt  }
0x65: {  	_ =	shalt  }
0x66: {  	_ =	shalt  }
0x67: {  	_ =	shalt  }
0x68: {  	_ =	shalt  }
0x69: {  	_ =	shalt  }
0x6a: {  	_ =	shalt  }
0x6b: {  	_ =	shalt  }
0x6c: {  	_ =	shalt  }
0x6d: {  	_ =	shalt  }
0x6e: {  	_ =	shalt  }
0x6f: {  	_ =	shalt  }
0x70: {  	_ =	shalt  }
0x71: {  	_ =	shalt  }
0x72: {  	_ =	shalt  }
0x73: {  	_ =	shalt  }
0x74: {  	_ =	shalt  }
0x75: {  	_ =	shalt  }
0x76: {  	_ =	shalt  }
0x77: {  	_ =	shalt  }
0x78: {  	_ =	shalt  }
0x79: {  	_ =	shalt  }
0x7a: {  	_ =	shalt  }
0x7b: {  	_ =	shalt  }
0x7c: {  	_ =	shalt  }
0x7d: {  	_ =	shalt  }
0x7e: {  	_ =	shalt  }
0x7f: {  	_ =	shalt  }
0x80: {  	_ =	shalt  }
0x81: {  	_ =	shalt  }
0x82: {  	_ =	shalt  }
0x83: {  	_ =	shalt  }
0x84: {  	_ =	shalt  }
0x85: {  	_ =	shalt  }
0x86: {  	_ =	shalt  }
0x87: {  	_ =	shalt  }
.Lfunc_end0:
.L_simem_size_0:
called_computation_lowered:
.L_overlay_start_0:
0x88: {  	s2 =	sld [smem:$0x3FD9]  }
0x89: {  	s3 =	sld [smem:$0x3FFE];
	_ =	sdelay $0x1  }
0x8a: {  	s1 =	srdreg.scid  }
0x8b: {  	s0 =	sand.u32 $0x1, s1  }
0x8c: {  	s18 =	sshll.u32 s0, $0xA;
	s2 =	sadd.s32 s3, s2  }
0x8d: {  	s2 =	sadd.s32 s2, s18  }
0x8e: {  	[smem:$0x3FC7] =	sst s2  }
0x8f: {  	_ = 	snop  }
0x90: {  	s2 =	sld [smem:$0x3FC9]  }
0x91: {  	s19 =	sld [smem:$0x3FD0];
	(tm) =	ssettm $0x1  }
0x92: {  	s4 =	sld [smem:$0x3FFB];
	_ =	sdelay $0x3  }
0x93: {  	_ =	strace s4  }
0x94: {  	s4 =	sld [smem:$0x3FFC];
	_ =	sdelay $0x3  }
0x95: {  	_ =	strace s4  }
0x96: {  	s4 =	sld [smem:$0x3FFD];
	_ =	sdelay $0x3  }
0x97: {  	_ =	strace s4  }
0x98: {  	_ =	strace $0x8FFFFFFF  }
0x99: {  	s20 =	sld [smem:$0x3FDB];
	_ =	sdelay $0x1  }
0x9a: {  	s5 =	simm.s32 $_scs_section_size  }
0x9b: {  	s6 =	simm.s32 $_size__tile_overlayer_lowered;
	s7 =	simm.s32 $_tile_overlayer_lowered  }
0x9c: {  	s23 =	simm.s32 $0x1BFF;
	s22 =	sshll.u32 s7, $0x1;
	s4 =	sadd.s32 s5, s20  }
0x9d: {  	s8 =	simm.s32 $0x0;
	s21 =	sshll.u32 s6, $0x1;
	s6 =	sadd.s32 s22, s4  }
0x9e: {  	[timem:s8], [sflag:s23] =	dma.local [hbm:s6], s21  }
0x9f: {  	_ =	swait.ge [sflag:s23], s21  }
0xa0: {  	s5 =	ssub.s32 $0x0, s21;
	[sflag:s23] =	ssyncset.done $0x0  }
0xa1: {  	[sflag:s23] =	ssyncadd.s32 s5;
	_ =	sdelay $0x1  }
0xa2: {  	s24 =	simm.s32 $0x1B8B  }
0xa3: {  	_ =	swait.ge [sflag:s24], $0x1  }
0xa4: {  	[sflag:s24] =	ssyncset.done $0x0  }
0xa5: {  	s25 =	simm.s32 $0x1B8E;
	[sflag:s24] =	ssyncadd.s32 $0xFFFFFFFF  }
0xa6: {  	s26 =	simm.s32 $execute0_lowered;
	[smem:$0x3FD2] =	sst s25  }
0xa7: {  	s5 =	sshll.u32 s26, $0x1;
	_ =	strace $0x80000046;
	[dreg:$0x1] =	wrdreg $0xFFFFFFFF  }
0xa8: {  	s28 =	simm.s32 $_size_execute0_lowered;
	s4 =	sadd.s32 s4, s5;
	[dreg:$0x0] =	wrdreg $0x0  }
0xa9: {  	s5 =	sshll.u32 s28, $0x1;
	[dreg:$0x2] =	wrdreg s4  }
0xaa: {  	[dreg:$0x3] =	wrdreg s5  }
0xab: {  	[dreg:$0x4] =	wrdreg $0xC0  }
0xac: {  	_ =	task [dreg:s8], $0x5FFFF  }
0xad: {  	[dreg:$0x1] =	wrdreg $0xFFFFFFFF  }
0xae: {  	[dreg:$0x0] =	wrdreg $0x60  }
0xaf: {  	[dreg:$0x2] =	wrdreg s2  }
0xb0: {  	[dreg:$0x3] =	wrdreg s19  }
0xb1: {  	[dreg:$0x4] =	wrdreg $0x9  }
0xb2: {  	_ =	task.clear_ibuf [dreg:s8], $0x5FFFF;
	_ =	strace $0x90000046  }
0xb3: {  	s29 =	simm.s32 $0x9;
	_ =	strace $0x80000048  }
0xb4: {  	_ =	swait.ge [sflag:s29], $0x1  }
0xb5: {  	[sflag:s29] =	ssyncadd.s32 $0xFFFFFFFF  }
0xb6: {  	_ =	strace $0x90000048  }
0xb7: {  	_ =	sfence  }
0xb8: {  	s30 =	sld [smem:$0x0];
	_ =	sdelay $0x2  }
0xb9: {  	s31 =	sshll.u32 s1, $0xD;
	s1 =	sshrl.u32 s1, $0x2  }
0xba: {  	s3 =	sand.u32 $0x4000, s31;
	s1 =	sadd.s32 s1, s30  }
0xbb: {  	s0 =	sor.u32 s3, s0;
	s1 =	sshll.u32 s1, $0x11  }
0xbc: {  	s0 =	sor.u32 s1, s0  }
0xbd: {  	s0 =	sadd.s32 $0x8F2B, s0  }
0xbe: {  	[sflag:s0] =	ssyncadd.remote.s32 $0x1  }
0xbf: {  	_ =	sfence.sel $0xFFFF  }
0xc0: {  	[dreg:$0x0] =	wrdreg $0xFFFFFFFF;
	(pc) =	sbr.abs _section_cstart, $3  }
0xc1: {  	[dreg:$0x1] =	wrdreg $0xFFFFFFFF  }
0xc2: {  	_ =	task.clear_ibuf [dreg:s8], $0x2FFFF;
	_ =	strace $0x9FFFFFFF  }
0xc3: {  	(tm) =	ssettm $0x7FFFFFFF  }
tec
execute0_lowered:
.L_overlay_start_1:
0x0: {  	(tag) =	ssettag $0x1  }
0x1: {  	s0 =	rddreg [dreg:$0x0]  }
0x2: {  	s2 =	rddreg [dreg:$0x1];
	s1 =	srdreg.scid  }
0x3: {  	s5 =	stileid.u32;
	s3 =	simm.s32 $0x0;
	s20 =	simm.s32 $0x3  }
0x4: {  	s1 =	sand.u32 $0x1, s1;
	s5 =	sshll.u32 s5, $0x1;
	[smem:$0x7FF] =	sst s3  }
0x5: {  	s7 =	sadd.s32 $0x300, s2;
	s8 =	sadd.s32 $0x400, s2;
	s10 =	sadd.s32 $0x500, s2  }
0x6: {  	s11 =	sadd.s32 $0x600, s2;
	s12 =	sadd.s32 $0x700, s2;
	s4 =	ssub.s32 $0x2, s1  }
0x7: {  	s1 =	sor.u32 s1, s5;
	_ =	strace $0x80000047;
	s5 =	sadd.s32 $0x100, s2  }
0x8: {  	s6 =	sshrl.u32 s4, $0x1;
	s14 =	sshll.u32 s1, $0x8;
	s1 =	sshll.u32 s1, $0xE  }
0x9: {  	v18 =	vlaneseq.u32;
	s4 =	ssub.s32 s4, s6;
	s15 =	sor.u32 $0x1, s14;
	s16 =	sor.u32 $0x2, s14  }
0xa: {  	v15 =	vmul.u32 $0x4, v18;
	s17 =	sor.u32 $0x3, s14;
	s18 =	sor.u32 $0x40, s14;
	s19 =	sor.u32 $0x41, s14  }
0xb: {  	vm0 =	vmmov $0xffff;
	v16 =	vand.u32 $0x7, v18;
	v17 =	vshrl.u32 v18, $0x3;
	s13 =	sor.u32 $0x42, s14;
	s21 =	sor.u32 $0x43, s14;
	s22 =	sor.u32 $0x80, s14  }
0xc: {  	v18 =	vor.u32 $0x8, v18;
	v17 =	vmul.u32 $0x8, v17;
	s23 =	sor.u32 $0x81, s14;
	s9 =	sor.u32 $0x82, s14;
	s25 =	sor.u32 $0x83, s14;
	v0 =	vor.u32 s14, v15  }
0xd: {  	s28 =	sor.u32 $0xC0, s14;
	s29 =	sor.u32 $0xC1, s14;
	s1 =	sadd.s32 s0, s1;
	v1 =	vor.u32 s15, v15;
	v2 =	vor.u32 s16, v15;
	v3 =	vor.u32 s17, v15  }
0xe: {  	s26 =	sor.u32 $0xC2, s14;
	s0 =	sadd.s32 $0x1000, s1;
	[dreg:$0x6] =	wrdreg s1;
	v4 =	vor.u32 s18, v15;
	v5 =	vor.u32 s19, v15;
	v6 =	vor.u32 s13, v15  }
0xf: {  	s24 =	sor.u32 $0xC3, s14;
	s30 =	sadd.s32 $0x2000, s1;
	v7 =	vor.u32 s21, v15;
	v8 =	vor.u32 s22, v15;
	v9 =	vor.u32 s23, v15;
	[dreg:$0x3] =	wrdreg s0  }
0x10: {  	s6 =	sadd.s32 $0x200, s2;
	s31 =	sadd.s32 $0x3000, s1;
	v10 =	vor.u32 s9, v15;
	v11 =	vor.u32 s25, v15;
	v12 =	vor.u32 s28, v15;
	[dreg:$0x4] =	wrdreg s30  }
0x11: {  	v13 =	vor.u32 s29, v15;
	v14 =	vor.u32 s26, v15;
	v15 =	vor.u32 s24, v15;
	s26 =	simm.s32 $0x4;
	[dreg:$0x5] =	wrdreg s31;
	s0 =	smax.u32 s4, $0x1  }
.LBB2_1:
0x12: {  	[tilespmem:$0x10000] =	vst v0  }
0x13: {  	[tilespmem:$0x10080] =	vst v1  }
0x14: {  	[tilespmem:$0x10100] =	vst v2  }
0x15: {  	[tilespmem:$0x10180] =	vst v3  }
0x16: {  	[tilespmem:$0x10200] =	vst v4  }
0x17: {  	[tilespmem:$0x10280] =	vst v5  }
0x18: {  	[tilespmem:$0x10300] =	vst v6  }
0x19: {  	[tilespmem:$0x10380] =	vst v7  }
0x1a: {  	[tilespmem:$0x10400] =	vst v8  }
0x1b: {  	[tilespmem:$0x10480] =	vst v9  }
0x1c: {  	[tilespmem:$0x10500] =	vst v10  }
0x1d: {  	[tilespmem:$0x10580] =	vst v11  }
0x1e: {  	[tilespmem:$0x10600] =	vst v12  }
0x1f: {  	[tilespmem:$0x10680] =	vst v13  }
0x20: {  	[dreg:$0x7] =	wrdreg s0;
	[tilespmem:$0x10700] =	vst v14  }
0x21: {  	[tilespmem:$0x10780] =	vst v15;
	s29 =	rddreg [dreg:$0x6]  }
0x22: {  	[tilespmem:s3], [sflag:$0x1] =	stream.linear.gather [hbm4b:s29+s3], $0x8000, $0x38;
	[tilespmem:$0x10800] =	vst v63  }
0x23: {  	s28 =	rddreg [dreg:$0x3];
	s23 =	simm.s32 $0x8000;
	s24 =	simm.s32 $0x1  }
0x24: {  	[tilespmem:s23], [sflag:$0x2] =	stream.linear.gather [hbm4b:s28+s3], $0x8000, $0x38;
	[tilespmem:$0x10800] =	vst v63  }
0x25: {  	_ =	swait.ge [sflag:s24], $0x8000  }
0x26: {  	[sflag:s24] =	ssyncset.done $0x0  }
0x27: {  	[sflag:s24] =	ssyncadd.s32 $0xFFFF8000  }
0x28: {  	v19 =	vld [tilespmem:$0x10000];
	_ =	sdelay $0x4  }
0x29: {  	v20 =	vshll.u32 v19, $0x4  }
0x2a: {  	v19 =	vand.u32 $0x7, v19;
	v20 =	vand.u32 $0xFFFFFF80, v20  }
0x2b: {  	v19 =	vor.u32 v19, v20  }
0x2c: {  	v20 =	vperm.xlane v19, v16;
	_ =	sdelay $0x1  }
0x2d: {  	v20 =	vadd.s32 v17, v20;
	_ =	sdelay $0x4  }
0x2e: {  	[hbm4b:s2+s3] =	stream.indirect_vreg.scatter [tilespmem:s3], [sflag:$0x3], $0x80, v20, vm0, $0xb8;
	[tilespmem:$0x10800] =	vst v63  }
0x2f: {  	s25 =	simm.s32 $0x800  }
0x30: {  	[hbm4b:s5+s3] =	stream.indirect_vreg.scatter [tilespmem:s25], [sflag:$0x3], $0x80, v20, vm0, $0xb8;
	[tilespmem:$0x10800] =	vst v63  }
0x31: {  	s28 =	simm.s32 $0x1000  }
0x32: {  	[hbm4b:s6+s3] =	stream.indirect_vreg.scatter [tilespmem:s28], [sflag:$0x3], $0x80, v20, vm0, $0xb8;
	[tilespmem:$0x10800] =	vst v63  }
0x33: {  	s29 =	simm.s32 $0x1800  }
0x34: {  	[hbm4b:s7+s3] =	stream.indirect_vreg.scatter [tilespmem:s29], [sflag:$0x3], $0x80, v20, vm0, $0xb8;
	[tilespmem:$0x10800] =	vst v63  }
0x35: {  	s31 =	simm.s32 $0x2000  }
0x36: {  	[hbm4b:s8+s3] =	stream.indirect_vreg.scatter [tilespmem:s31], [sflag:$0x3], $0x80, v20, vm0, $0xb8;
	[tilespmem:$0x10800] =	vst v63  }
0x37: {  	s1 =	simm.s32 $0x2800;
	v19 =	vperm.xlane v19, v18  }
0x38: {  	[hbm4b:s10+s3] =	stream.indirect_vreg.scatter [tilespmem:s1], [sflag:$0x3], $0x80, v20, vm0, $0xb8;
	[tilespmem:$0x10800] =	vst v63  }
0x39: {  	v19 =	vadd.s32 v17, v19;
	s1 =	simm.s32 $0x3000  }
0x3a: {  	[hbm4b:s11+s3] =	stream.indirect_vreg.scatter [tilespmem:s1], [sflag:$0x3], $0x80, v20, vm0, $0xb8;
	[tilespmem:$0x10800] =	vst v63  }
0x3b: {  	s4 =	simm.s32 $0x3800  }
0x3c: {  	[hbm4b:s12+s3] =	stream.indirect_vreg.scatter [tilespmem:s4], [sflag:$0x3], $0x80, v20, vm0, $0xb8;
	[tilespmem:$0x10800] =	vst v63  }
0x3d: {  	s9 =	simm.s32 $0x4000  }
0x3e: {  	[hbm4b:s2+s3] =	stream.indirect_vreg.scatter [tilespmem:s9], [sflag:$0x3], $0x80, v19, vm0, $0xb8;
	[tilespmem:$0x10800] =	vst v63  }
0x3f: {  	s13 =	simm.s32 $0x4800  }
0x40: {  	[hbm4b:s5+s3] =	stream.indirect_vreg.scatter [tilespmem:s13], [sflag:$0x3], $0x80, v19, vm0, $0xb8;
	[tilespmem:$0x10800] =	vst v63  }
0x41: {  	s14 =	simm.s32 $0x5000  }
0x42: {  	[hbm4b:s6+s3] =	stream.indirect_vreg.scatter [tilespmem:s14], [sflag:$0x3], $0x80, v19, vm0, $0xb8;
	[tilespmem:$0x10800] =	vst v63  }
0x43: {  	s15 =	simm.s32 $0x5800  }
0x44: {  	[hbm4b:s7+s3] =	stream.indirect_vreg.scatter [tilespmem:s15], [sflag:$0x3], $0x80, v19, vm0, $0xb8;
	[tilespmem:$0x10800] =	vst v63  }
0x45: {  	s16 =	simm.s32 $0x6000  }
0x46: {  	[hbm4b:s8+s3] =	stream.indirect_vreg.scatter [tilespmem:s16], [sflag:$0x3], $0x80, v19, vm0, $0xb8;
	[tilespmem:$0x10800] =	vst v63  }
0x47: {  	s17 =	simm.s32 $0x6800  }
0x48: {  	[hbm4b:s10+s3] =	stream.indirect_vreg.scatter [tilespmem:s17], [sflag:$0x3], $0x80, v19, vm0, $0xb8;
	[tilespmem:$0x10800] =	vst v63  }
0x49: {  	s18 =	simm.s32 $0x7000  }
0x4a: {  	[hbm4b:s11+s3] =	stream.indirect_vreg.scatter [tilespmem:s18], [sflag:$0x3], $0x80, v19, vm0, $0xb8;
	[tilespmem:$0x10800] =	vst v63  }
0x4b: {  	s21 =	simm.s32 $0x7800  }
0x4c: {  	[hbm4b:s12+s3] =	stream.indirect_vreg.scatter [tilespmem:s21], [sflag:$0x3], $0x80, v19, vm0, $0xb8;
	[tilespmem:$0x10800] =	vst v63  }
0x4d: {  	v19 =	vld [tilespmem:$0x10080];
	_ =	sdelay $0x4  }
0x4e: {  	v20 =	vshll.u32 v19, $0x4  }
0x4f: {  	v19 =	vand.u32 $0x7, v19;
	v20 =	vand.u32 $0xFFFFFF80, v20  }
0x50: {  	v19 =	vor.u32 v19, v20  }
0x51: {  	v20 =	vperm.xlane v19, v16;
	_ =	sdelay $0x1  }
0x52: {  	v20 =	vadd.s32 v17, v20;
	_ =	sdelay $0x4  }
0x53: {  	[hbm4b:s2+s3] =	stream.indirect_vreg.scatter [tilespmem:s3], [sflag:$0x3], $0x80, v20, vm0, $0xb8;
	[tilespmem:$0x10800] =	vst v63  }
0x54: {  	s23 =	simm.s32 $0x800  }
0x55: {  	[hbm4b:s5+s3] =	stream.indirect_vreg.scatter [tilespmem:s23], [sflag:$0x3], $0x80, v20, vm0, $0xb8;
	[tilespmem:$0x10800] =	vst v63  }
0x56: {  	s24 =	simm.s32 $0x1000  }
0x57: {  	[hbm4b:s6+s3] =	stream.indirect_vreg.scatter [tilespmem:s24], [sflag:$0x3], $0x80, v20, vm0, $0xb8;
	[tilespmem:$0x10800] =	vst v63  }
0x58: {  	s22 =	simm.s32 $0x1800  }
0x59: {  	[hbm4b:s7+s3] =	stream.indirect_vreg.scatter [tilespmem:s22], [sflag:$0x3], $0x80, v20, vm0, $0xb8;
	[tilespmem:$0x10800] =	vst v63  }
0x5a: {  	s19 =	simm.s32 $0x2000  }
0x5b: {  	[hbm4b:s8+s3] =	stream.indirect_vreg.scatter [tilespmem:s19], [sflag:$0x3], $0x80, v20, vm0, $0xb8;
	[tilespmem:$0x10800] =	vst v63  }
0x5c: {  	s0 =	simm.s32 $0x2800;
	v19 =	vperm.xlane v19, v18  }
0x5d: {  	[hbm4b:s10+s3] =	stream.indirect_vreg.scatter [tilespmem:s0], [sflag:$0x3], $0x80, v20, vm0, $0xb8;
	[tilespmem:$0x10800] =	vst v63  }
0x5e: {  	s1 =	simm.s32 $0x3000;
	v19 =	vadd.s32 v17, v19  }
0x5f: {  	[hbm4b:s11+s3] =	stream.indirect_vreg.scatter [tilespmem:s1], [sflag:$0x3], $0x80, v20, vm0, $0xb8;
	[tilespmem:$0x10800] =	vst v63  }
0x60: {  	s4 =	simm.s32 $0x3800  }
0x61: {  	[hbm4b:s12+s3] =	stream.indirect_vreg.scatter [tilespmem:s4], [sflag:$0x3], $0x80, v20, vm0, $0xb8;
	[tilespmem:$0x10800] =	vst v63  }
0x62: {  	s9 =	simm.s32 $0x4000  }
0x63: {  	[hbm4b:s2+s3] =	stream.indirect_vreg.scatter [tilespmem:s9], [sflag:$0x3], $0x80, v19, vm0, $0xb8;
	[tilespmem:$0x10800] =	vst v63  }
0x64: {  	s13 =	simm.s32 $0x4800  }
0x65: {  	[hbm4b:s5+s3] =	stream.indirect_vreg.scatter [tilespmem:s13], [sflag:$0x3], $0x80, v19, vm0, $0xb8;
	[tilespmem:$0x10800] =	vst v63  }
0x66: {  	s14 =	simm.s32 $0x5000  }
0x67: {  	[hbm4b:s6+s3] =	stream.indirect_vreg.scatter [tilespmem:s14], [sflag:$0x3], $0x80, v19, vm0, $0xb8;
	[tilespmem:$0x10800] =	vst v63  }
0x68: {  	s15 =	simm.s32 $0x5800  }
0x69: {  	[hbm4b:s7+s3] =	stream.indirect_vreg.scatter [tilespmem:s15], [sflag:$0x3], $0x80, v19, vm0, $0xb8;
	[tilespmem:$0x10800] =	vst v63  }
0x6a: {  	s16 =	simm.s32 $0x6000  }
0x6b: {  	[hbm4b:s8+s3] =	stream.indirect_vreg.scatter [tilespmem:s16], [sflag:$0x3], $0x80, v19, vm0, $0xb8;
	[tilespmem:$0x10800] =	vst v63  }
0x6c: {  	s17 =	simm.s32 $0x6800  }
0x6d: {  	[hbm4b:s10+s3] =	stream.indirect_vreg.scatter [tilespmem:s17], [sflag:$0x3], $0x80, v19, vm0, $0xb8;
	[tilespmem:$0x10800] =	vst v63  }
0x6e: {  	s18 =	simm.s32 $0x7000  }
0x6f: {  	[hbm4b:s11+s3] =	stream.indirect_vreg.scatter [tilespmem:s18], [sflag:$0x3], $0x80, v19, vm0, $0xb8;
	[tilespmem:$0x10800] =	vst v63  }
0x70: {  	s21 =	simm.s32 $0x7800  }
0x71: {  	[hbm4b:s12+s3] =	stream.indirect_vreg.scatter [tilespmem:s21], [sflag:$0x3], $0x80, v19, vm0, $0xb8;
	[tilespmem:$0x10800] =	vst v63  }
0x72: {  	v19 =	vld [tilespmem:$0x10100];
	_ =	sdelay $0x4  }
0x73: {  	v20 =	vshll.u32 v19, $0x4  }
0x74: {  	v19 =	vand.u32 $0x7, v19;
	v20 =	vand.u32 $0xFFFFFF80, v20  }
0x75: {  	v19 =	vor.u32 v19, v20  }
0x76: {  	v20 =	vperm.xlane v19, v16;
	_ =	sdelay $0x1  }
0x77: {  	v20 =	vadd.s32 v17, v20;
	_ =	sdelay $0x4  }
0x78: {  	[hbm4b:s2+s3] =	stream.indirect_vreg.scatter [tilespmem:s3], [sflag:$0x3], $0x80, v20, vm0, $0xb8;
	[tilespmem:$0x10800] =	vst v63  }
0x79: {  	s23 =	simm.s32 $0x800  }
0x7a: {  	[hbm4b:s5+s3] =	stream.indirect_vreg.scatter [tilespmem:s23], [sflag:$0x3], $0x80, v20, vm0, $0xb8;
	[tilespmem:$0x10800] =	vst v63  }
0x7b: {  	_ = 	snop  }
0x7c: {  	[hbm4b:s6+s3] =	stream.indirect_vreg.scatter [tilespmem:s24], [sflag:$0x3], $0x80, v20, vm0, $0xb8;
	[tilespmem:$0x10800] =	vst v63  }
0x7d: {  	s22 =	simm.s32 $0x1800  }
0x7e: {  	[hbm4b:s7+s3] =	stream.indirect_vreg.scatter [tilespmem:s22], [sflag:$0x3], $0x80, v20, vm0, $0xb8;
	[tilespmem:$0x10800] =	vst v63  }
0x7f: {  	s19 =	simm.s32 $0x2000  }
0x80: {  	[hbm4b:s8+s3] =	stream.indirect_vreg.scatter [tilespmem:s19], [sflag:$0x3], $0x80, v20, vm0, $0xb8;
	[tilespmem:$0x10800] =	vst v63  }
0x81: {  	v19 =	vperm.xlane v19, v18  }
0x82: {  	[hbm4b:s10+s3] =	stream.indirect_vreg.scatter [tilespmem:s0], [sflag:$0x3], $0x80, v20, vm0, $0xb8;
	[tilespmem:$0x10800] =	vst v63  }
0x83: {  	v19 =	vadd.s32 v17, v19  }
0x84: {  	[hbm4b:s11+s3] =	stream.indirect_vreg.scatter [tilespmem:s1], [sflag:$0x3], $0x80, v20, vm0, $0xb8;
	[tilespmem:$0x10800] =	vst v63  }
0x85: {  	s4 =	simm.s32 $0x3800  }
0x86: {  	[hbm4b:s12+s3] =	stream.indirect_vreg.scatter [tilespmem:s4], [sflag:$0x3], $0x80, v20, vm0, $0xb8;
	[tilespmem:$0x10800] =	vst v63  }
0x87: {  	s9 =	simm.s32 $0x4000  }
0x88: {  	[hbm4b:s2+s3] =	stream.indirect_vreg.scatter [tilespmem:s9], [sflag:$0x3], $0x80, v19, vm0, $0xb8;
	[tilespmem:$0x10800] =	vst v63  }
0x89: {  	s13 =	simm.s32 $0x4800  }
0x8a: {  	[hbm4b:s5+s3] =	stream.indirect_vreg.scatter [tilespmem:s13], [sflag:$0x3], $0x80, v19, vm0, $0xb8;
	[tilespmem:$0x10800] =	vst v63  }
0x8b: {  	s14 =	simm.s32 $0x5000  }
0x8c: {  	[hbm4b:s6+s3] =	stream.indirect_vreg.scatter [tilespmem:s14], [sflag:$0x3], $0x80, v19, vm0, $0xb8;
	[tilespmem:$0x10800] =	vst v63  }
0x8d: {  	s15 =	simm.s32 $0x5800  }
0x8e: {  	[hbm4b:s7+s3] =	stream.indirect_vreg.scatter [tilespmem:s15], [sflag:$0x3], $0x80, v19, vm0, $0xb8;
	[tilespmem:$0x10800] =	vst v63  }
0x8f: {  	s25 =	simm.s32 $0x6000  }
0x90: {  	[hbm4b:s8+s3] =	stream.indirect_vreg.scatter [tilespmem:s25], [sflag:$0x3], $0x80, v19, vm0, $0xb8;
	[tilespmem:$0x10800] =	vst v63  }
0x91: {  	s28 =	simm.s32 $0x6800  }
0x92: {  	[hbm4b:s10+s3] =	stream.indirect_vreg.scatter [tilespmem:s28], [sflag:$0x3], $0x80, v19, vm0, $0xb8;
	[tilespmem:$0x10800] =	vst v63  }
0x93: {  	s29 =	simm.s32 $0x7000  }
0x94: {  	[hbm4b:s11+s3] =	stream.indirect_vreg.scatter [tilespmem:s29], [sflag:$0x3], $0x80, v19, vm0, $0xb8;
	[tilespmem:$0x10800] =	vst v63  }
0x95: {  	s31 =	simm.s32 $0x7800  }
0x96: {  	[hbm4b:s12+s3] =	stream.indirect_vreg.scatter [tilespmem:s31], [sflag:$0x3], $0x80, v19, vm0, $0xb8;
	[tilespmem:$0x10800] =	vst v63  }
0x97: {  	v19 =	vld [tilespmem:$0x10180];
	_ =	sdelay $0x4  }
0x98: {  	v20 =	vshll.u32 v19, $0x4  }
0x99: {  	v19 =	vand.u32 $0x7, v19;
	v20 =	vand.u32 $0xFFFFFF80, v20  }
0x9a: {  	v19 =	vor.u32 v19, v20  }
0x9b: {  	v20 =	vperm.xlane v19, v16;
	_ =	sdelay $0x1  }
0x9c: {  	v20 =	vadd.s32 v17, v20;
	_ =	sdelay $0x4  }
0x9d: {  	[hbm4b:s2+s3] =	stream.indirect_vreg.scatter [tilespmem:s3], [sflag:$0x3], $0x80, v20, vm0, $0xb8;
	[tilespmem:$0x10800] =	vst v63  }
0x9e: {  	s23 =	simm.s32 $0x800  }
0x9f: {  	[hbm4b:s5+s3] =	stream.indirect_vreg.scatter [tilespmem:s23], [sflag:$0x3], $0x80, v20, vm0, $0xb8;
	[tilespmem:$0x10800] =	vst v63  }
0xa0: {  	_ = 	snop  }
0xa1: {  	[hbm4b:s6+s3] =	stream.indirect_vreg.scatter [tilespmem:s24], [sflag:$0x3], $0x80, v20, vm0, $0xb8;
	[tilespmem:$0x10800] =	vst v63  }
0xa2: {  	s22 =	simm.s32 $0x1800  }
0xa3: {  	[hbm4b:s7+s3] =	stream.indirect_vreg.scatter [tilespmem:s22], [sflag:$0x3], $0x80, v20, vm0, $0xb8;
	[tilespmem:$0x10800] =	vst v63  }
0xa4: {  	s19 =	simm.s32 $0x2000  }
0xa5: {  	[hbm4b:s8+s3] =	stream.indirect_vreg.scatter [tilespmem:s19], [sflag:$0x3], $0x80, v20, vm0, $0xb8;
	[tilespmem:$0x10800] =	vst v63  }
0xa6: {  	v19 =	vperm.xlane v19, v18  }
0xa7: {  	[hbm4b:s10+s3] =	stream.indirect_vreg.scatter [tilespmem:s0], [sflag:$0x3], $0x80, v20, vm0, $0xb8;
	[tilespmem:$0x10800] =	vst v63  }
0xa8: {  	s1 =	simm.s32 $0x3000;
	v19 =	vadd.s32 v17, v19  }
0xa9: {  	[hbm4b:s11+s3] =	stream.indirect_vreg.scatter [tilespmem:s1], [sflag:$0x3], $0x80, v20, vm0, $0xb8;
	[tilespmem:$0x10800] =	vst v63  }
0xaa: {  	s4 =	simm.s32 $0x3800  }
0xab: {  	[hbm4b:s12+s3] =	stream.indirect_vreg.scatter [tilespmem:s4], [sflag:$0x3], $0x80, v20, vm0, $0xb8;
	[tilespmem:$0x10800] =	vst v63  }
0xac: {  	s9 =	simm.s32 $0x4000  }
0xad: {  	[hbm4b:s2+s3] =	stream.indirect_vreg.scatter [tilespmem:s9], [sflag:$0x3], $0x80, v19, vm0, $0xb8;
	[tilespmem:$0x10800] =	vst v63  }
0xae: {  	s13 =	simm.s32 $0x4800  }
0xaf: {  	[hbm4b:s5+s3] =	stream.indirect_vreg.scatter [tilespmem:s13], [sflag:$0x3], $0x80, v19, vm0, $0xb8;
	[tilespmem:$0x10800] =	vst v63  }
0xb0: {  	s14 =	simm.s32 $0x5000  }
0xb1: {  	[hbm4b:s6+s3] =	stream.indirect_vreg.scatter [tilespmem:s14], [sflag:$0x3], $0x80, v19, vm0, $0xb8;
	[tilespmem:$0x10800] =	vst v63  }
0xb2: {  	s15 =	simm.s32 $0x5800  }
0xb3: {  	[hbm4b:s7+s3] =	stream.indirect_vreg.scatter [tilespmem:s15], [sflag:$0x3], $0x80, v19, vm0, $0xb8;
	[tilespmem:$0x10800] =	vst v63  }
0xb4: {  	s25 =	simm.s32 $0x6000  }
0xb5: {  	[hbm4b:s8+s3] =	stream.indirect_vreg.scatter [tilespmem:s25], [sflag:$0x3], $0x80, v19, vm0, $0xb8;
	[tilespmem:$0x10800] =	vst v63  }
0xb6: {  	s28 =	simm.s32 $0x6800  }
0xb7: {  	[hbm4b:s10+s3] =	stream.indirect_vreg.scatter [tilespmem:s28], [sflag:$0x3], $0x80, v19, vm0, $0xb8;
	[tilespmem:$0x10800] =	vst v63  }
0xb8: {  	s29 =	simm.s32 $0x7000  }
0xb9: {  	[hbm4b:s11+s3] =	stream.indirect_vreg.scatter [tilespmem:s29], [sflag:$0x3], $0x80, v19, vm0, $0xb8;
	[tilespmem:$0x10800] =	vst v63  }
0xba: {  	s31 =	simm.s32 $0x7800  }
0xbb: {  	[hbm4b:s12+s3] =	stream.indirect_vreg.scatter [tilespmem:s31], [sflag:$0x3], $0x80, v19, vm0, $0xb8;
	[tilespmem:$0x10800] =	vst v63  }
0xbc: {  	_ =	swait.ge [sflag:s20], $0x8000  }
0xbd: {  	[sflag:s20] =	ssyncset.done $0x0  }
0xbe: {  	[sflag:s20] =	ssyncadd.s32 $0xFFFF8000  }
0xbf: {  	_ =	swait.ge [sflag:s20], $0x8000  }
0xc0: {  	[sflag:s20] =	ssyncset.done $0x0  }
0xc1: {  	[sflag:s20] =	ssyncadd.s32 $0xFFFF8000  }
0xc2: {  	_ =	swait.ge [sflag:s20], $0x8000  }
0xc3: {  	[sflag:s20] =	ssyncset.done $0x0  }
0xc4: {  	[sflag:s20] =	ssyncadd.s32 $0xFFFF8000  }
0xc5: {  	_ =	swait.ge [sflag:s20], $0x8000  }
0xc6: {  	[sflag:s20] =	ssyncset.done $0x0  }
0xc7: {  	s25 =	simm.s32 $0x2;
	s13 =	rddreg [dreg:$0x4];
	[sflag:s20] =	ssyncadd.s32 $0xFFFF8000  }
0xc8: {  	[tilespmem:s3], [sflag:$0x1] =	stream.linear.gather [hbm4b:s13+s3], $0x8000, $0x38;
	[tilespmem:$0x10800] =	vst v63  }
0xc9: {  	_ =	swait.ge [sflag:s25], $0x8000  }
0xca: {  	[sflag:s25] =	ssyncset.done $0x0  }
0xcb: {  	[sflag:s25] =	ssyncadd.s32 $0xFFFF8000  }
0xcc: {  	v19 =	vld [tilespmem:$0x10200];
	_ =	sdelay $0x4  }
0xcd: {  	v20 =	vshll.u32 v19, $0x4  }
0xce: {  	v19 =	vand.u32 $0x7, v19;
	v20 =	vand.u32 $0xFFFFFF80, v20  }
0xcf: {  	v19 =	vor.u32 v19, v20  }
0xd0: {  	v20 =	vperm.xlane v19, v16;
	_ =	sdelay $0x1  }
0xd1: {  	v20 =	vadd.s32 v17, v20;
	_ =	sdelay $0x3  }
0xd2: {  	s0 =	simm.s32 $0x8000  }
0xd3: {  	[hbm4b:s2+s3] =	stream.indirect_vreg.scatter [tilespmem:s0], [sflag:$0x4], $0x80, v20, vm0, $0xb8;
	[tilespmem:$0x10800] =	vst v63  }
0xd4: {  	s14 =	simm.s32 $0x8800  }
0xd5: {  	[hbm4b:s5+s3] =	stream.indirect_vreg.scatter [tilespmem:s14], [sflag:$0x4], $0x80, v20, vm0, $0xb8;
	[tilespmem:$0x10800] =	vst v63  }
0xd6: {  	s29 =	simm.s32 $0x9000  }
0xd7: {  	[hbm4b:s6+s3] =	stream.indirect_vreg.scatter [tilespmem:s29], [sflag:$0x4], $0x80, v20, vm0, $0xb8;
	[tilespmem:$0x10800] =	vst v63  }
0xd8: {  	s15 =	simm.s32 $0x9800  }
0xd9: {  	[hbm4b:s7+s3] =	stream.indirect_vreg.scatter [tilespmem:s15], [sflag:$0x4], $0x80, v20, vm0, $0xb8;
	[tilespmem:$0x10800] =	vst v63  }
0xda: {  	s16 =	simm.s32 $0xA000  }
0xdb: {  	[hbm4b:s8+s3] =	stream.indirect_vreg.scatter [tilespmem:s16], [sflag:$0x4], $0x80, v20, vm0, $0xb8;
	[tilespmem:$0x10800] =	vst v63  }
0xdc: {  	s17 =	simm.s32 $0xA800;
	v19 =	vperm.xlane v19, v18  }
0xdd: {  	[hbm4b:s10+s3] =	stream.indirect_vreg.scatter [tilespmem:s17], [sflag:$0x4], $0x80, v20, vm0, $0xb8;
	[tilespmem:$0x10800] =	vst v63  }
0xde: {  	s18 =	simm.s32 $0xB000;
	v19 =	vadd.s32 v17, v19  }
0xdf: {  	[hbm4b:s11+s3] =	stream.indirect_vreg.scatter [tilespmem:s18], [sflag:$0x4], $0x80, v20, vm0, $0xb8;
	[tilespmem:$0x10800] =	vst v63  }
0xe0: {  	s19 =	simm.s32 $0xB800  }
0xe1: {  	[hbm4b:s12+s3] =	stream.indirect_vreg.scatter [tilespmem:s19], [sflag:$0x4], $0x80, v20, vm0, $0xb8;
	[tilespmem:$0x10800] =	vst v63  }
0xe2: {  	s21 =	simm.s32 $0xC000  }
0xe3: {  	[hbm4b:s2+s3] =	stream.indirect_vreg.scatter [tilespmem:s21], [sflag:$0x4], $0x80, v19, vm0, $0xb8;
	[tilespmem:$0x10800] =	vst v63  }
0xe4: {  	s22 =	simm.s32 $0xC800  }
0xe5: {  	[hbm4b:s5+s3] =	stream.indirect_vreg.scatter [tilespmem:s22], [sflag:$0x4], $0x80, v19, vm0, $0xb8;
	[tilespmem:$0x10800] =	vst v63  }
0xe6: {  	s23 =	simm.s32 $0xD000  }
0xe7: {  	[hbm4b:s6+s3] =	stream.indirect_vreg.scatter [tilespmem:s23], [sflag:$0x4], $0x80, v19, vm0, $0xb8;
	[tilespmem:$0x10800] =	vst v63  }
0xe8: {  	s28 =	simm.s32 $0xD800  }
0xe9: {  	[hbm4b:s7+s3] =	stream.indirect_vreg.scatter [tilespmem:s28], [sflag:$0x4], $0x80, v19, vm0, $0xb8;
	[tilespmem:$0x10800] =	vst v63  }
0xea: {  	s21 =	simm.s32 $0xE000  }
0xeb: {  	[hbm4b:s8+s3] =	stream.indirect_vreg.scatter [tilespmem:s21], [sflag:$0x4], $0x80, v19, vm0, $0xb8;
	[tilespmem:$0x10800] =	vst v63  }
0xec: {  	s22 =	simm.s32 $0xE800  }
0xed: {  	[hbm4b:s10+s3] =	stream.indirect_vreg.scatter [tilespmem:s22], [sflag:$0x4], $0x80, v19, vm0, $0xb8;
	[tilespmem:$0x10800] =	vst v63  }
0xee: {  	s23 =	simm.s32 $0xF000  }
0xef: {  	[hbm4b:s11+s3] =	stream.indirect_vreg.scatter [tilespmem:s23], [sflag:$0x4], $0x80, v19, vm0, $0xb8;
	[tilespmem:$0x10800] =	vst v63  }
0xf0: {  	s31 =	simm.s32 $0xF800  }
0xf1: {  	[hbm4b:s12+s3] =	stream.indirect_vreg.scatter [tilespmem:s31], [sflag:$0x4], $0x80, v19, vm0, $0xb8;
	[tilespmem:$0x10800] =	vst v63  }
0xf2: {  	v19 =	vld [tilespmem:$0x10280];
	_ =	sdelay $0x4  }
0xf3: {  	v20 =	vshll.u32 v19, $0x4  }
0xf4: {  	v19 =	vand.u32 $0x7, v19;
	v20 =	vand.u32 $0xFFFFFF80, v20  }
0xf5: {  	v19 =	vor.u32 v19, v20  }
0xf6: {  	v20 =	vperm.xlane v19, v16;
	_ =	sdelay $0x1  }
0xf7: {  	v20 =	vadd.s32 v17, v20;
	_ =	sdelay $0x4  }
0xf8: {  	[hbm4b:s2+s3] =	stream.indirect_vreg.scatter [tilespmem:s0], [sflag:$0x4], $0x80, v20, vm0, $0xb8;
	[tilespmem:$0x10800] =	vst v63  }
0xf9: {  	s9 =	simm.s32 $0x8800  }
0xfa: {  	[hbm4b:s5+s3] =	stream.indirect_vreg.scatter [tilespmem:s9], [sflag:$0x4], $0x80, v20, vm0, $0xb8;
	[tilespmem:$0x10800] =	vst v63  }
0xfb: {  	_ = 	snop  }
0xfc: {  	[hbm4b:s6+s3] =	stream.indirect_vreg.scatter [tilespmem:s29], [sflag:$0x4], $0x80, v20, vm0, $0xb8;
	[tilespmem:$0x10800] =	vst v63  }
0xfd: {  	s24 =	simm.s32 $0x9800  }
0xfe: {  	[hbm4b:s7+s3] =	stream.indirect_vreg.scatter [tilespmem:s24], [sflag:$0x4], $0x80, v20, vm0, $0xb8;
	[tilespmem:$0x10800] =	vst v63  }
0xff: {  	s4 =	simm.s32 $0xA000  }
0x100: {  	[hbm4b:s8+s3] =	stream.indirect_vreg.scatter [tilespmem:s4], [sflag:$0x4], $0x80, v20, vm0, $0xb8;
	[tilespmem:$0x10800] =	vst v63  }
0x101: {  	s13 =	simm.s32 $0xA800;
	v19 =	vperm.xlane v19, v18  }
0x102: {  	[hbm4b:s10+s3] =	stream.indirect_vreg.scatter [tilespmem:s13], [sflag:$0x4], $0x80, v20, vm0, $0xb8;
	[tilespmem:$0x10800] =	vst v63  }
0x103: {  	s14 =	simm.s32 $0xB000;
	v19 =	vadd.s32 v17, v19  }
0x104: {  	[hbm4b:s11+s3] =	stream.indirect_vreg.scatter [tilespmem:s14], [sflag:$0x4], $0x80, v20, vm0, $0xb8;
	[tilespmem:$0x10800] =	vst v63  }
0x105: {  	s15 =	simm.s32 $0xB800  }
0x106: {  	[hbm4b:s12+s3] =	stream.indirect_vreg.scatter [tilespmem:s15], [sflag:$0x4], $0x80, v20, vm0, $0xb8;
	[tilespmem:$0x10800] =	vst v63  }
0x107: {  	s16 =	simm.s32 $0xC000  }
0x108: {  	[hbm4b:s2+s3] =	stream.indirect_vreg.scatter [tilespmem:s16], [sflag:$0x4], $0x80, v19, vm0, $0xb8;
	[tilespmem:$0x10800] =	vst v63  }
0x109: {  	s17 =	simm.s32 $0xC800  }
0x10a: {  	[hbm4b:s5+s3] =	stream.indirect_vreg.scatter [tilespmem:s17], [sflag:$0x4], $0x80, v19, vm0, $0xb8;
	[tilespmem:$0x10800] =	vst v63  }
0x10b: {  	s18 =	simm.s32 $0xD000  }
0x10c: {  	[hbm4b:s6+s3] =	stream.indirect_vreg.scatter [tilespmem:s18], [sflag:$0x4], $0x80, v19, vm0, $0xb8;
	[tilespmem:$0x10800] =	vst v63  }
0x10d: {  	s19 =	simm.s32 $0xD800  }
0x10e: {  	[hbm4b:s7+s3] =	stream.indirect_vreg.scatter [tilespmem:s19], [sflag:$0x4], $0x80, v19, vm0, $0xb8;
	[tilespmem:$0x10800] =	vst v63  }
0x10f: {  	_ = 	snop  }
0x110: {  	[hbm4b:s8+s3] =	stream.indirect_vreg.scatter [tilespmem:s21], [sflag:$0x4], $0x80, v19, vm0, $0xb8;
	[tilespmem:$0x10800] =	vst v63  }
0x111: {  	_ = 	snop  }
0x112: {  	[hbm4b:s10+s3] =	stream.indirect_vreg.scatter [tilespmem:s22], [sflag:$0x4], $0x80, v19, vm0, $0xb8;
	[tilespmem:$0x10800] =	vst v63  }
0x113: {  	_ = 	snop  }
0x114: {  	[hbm4b:s11+s3] =	stream.indirect_vreg.scatter [tilespmem:s23], [sflag:$0x4], $0x80, v19, vm0, $0xb8;
	[tilespmem:$0x10800] =	vst v63  }
0x115: {  	s28 =	simm.s32 $0xF800  }
0x116: {  	[hbm4b:s12+s3] =	stream.indirect_vreg.scatter [tilespmem:s28], [sflag:$0x4], $0x80, v19, vm0, $0xb8;
	[tilespmem:$0x10800] =	vst v63  }
0x117: {  	v19 =	vld [tilespmem:$0x10300];
	_ =	sdelay $0x4  }
0x118: {  	v20 =	vshll.u32 v19, $0x4  }
0x119: {  	v19 =	vand.u32 $0x7, v19;
	v20 =	vand.u32 $0xFFFFFF80, v20  }
0x11a: {  	v19 =	vor.u32 v19, v20  }
0x11b: {  	v20 =	vperm.xlane v19, v16;
	_ =	sdelay $0x1  }
0x11c: {  	v20 =	vadd.s32 v17, v20;
	_ =	sdelay $0x3  }
0x11d: {  	s0 =	simm.s32 $0x8000  }
0x11e: {  	[hbm4b:s2+s3] =	stream.indirect_vreg.scatter [tilespmem:s0], [sflag:$0x4], $0x80, v20, vm0, $0xb8;
	[tilespmem:$0x10800] =	vst v63  }
0x11f: {  	_ = 	snop  }
0x120: {  	[hbm4b:s5+s3] =	stream.indirect_vreg.scatter [tilespmem:s9], [sflag:$0x4], $0x80, v20, vm0, $0xb8;
	[tilespmem:$0x10800] =	vst v63  }
0x121: {  	_ = 	snop  }
0x122: {  	[hbm4b:s6+s3] =	stream.indirect_vreg.scatter [tilespmem:s29], [sflag:$0x4], $0x80, v20, vm0, $0xb8;
	[tilespmem:$0x10800] =	vst v63  }
0x123: {  	_ = 	snop  }
0x124: {  	[hbm4b:s7+s3] =	stream.indirect_vreg.scatter [tilespmem:s24], [sflag:$0x4], $0x80, v20, vm0, $0xb8;
	[tilespmem:$0x10800] =	vst v63  }
0x125: {  	_ = 	snop  }
0x126: {  	[hbm4b:s8+s3] =	stream.indirect_vreg.scatter [tilespmem:s4], [sflag:$0x4], $0x80, v20, vm0, $0xb8;
	[tilespmem:$0x10800] =	vst v63  }
0x127: {  	v19 =	vperm.xlane v19, v18  }
0x128: {  	[hbm4b:s10+s3] =	stream.indirect_vreg.scatter [tilespmem:s13], [sflag:$0x4], $0x80, v20, vm0, $0xb8;
	[tilespmem:$0x10800] =	vst v63  }
0x129: {  	v19 =	vadd.s32 v17, v19  }
0x12a: {  	[hbm4b:s11+s3] =	stream.indirect_vreg.scatter [tilespmem:s14], [sflag:$0x4], $0x80, v20, vm0, $0xb8;
	[tilespmem:$0x10800] =	vst v63  }
0x12b: {  	_ = 	snop  }
0x12c: {  	[hbm4b:s12+s3] =	stream.indirect_vreg.scatter [tilespmem:s15], [sflag:$0x4], $0x80, v20, vm0, $0xb8;
	[tilespmem:$0x10800] =	vst v63  }
0x12d: {  	_ = 	snop  }
0x12e: {  	[hbm4b:s2+s3] =	stream.indirect_vreg.scatter [tilespmem:s16], [sflag:$0x4], $0x80, v19, vm0, $0xb8;
	[tilespmem:$0x10800] =	vst v63  }
0x12f: {  	_ = 	snop  }
0x130: {  	[hbm4b:s5+s3] =	stream.indirect_vreg.scatter [tilespmem:s17], [sflag:$0x4], $0x80, v19, vm0, $0xb8;
	[tilespmem:$0x10800] =	vst v63  }
0x131: {  	_ = 	snop  }
0x132: {  	[hbm4b:s6+s3] =	stream.indirect_vreg.scatter [tilespmem:s18], [sflag:$0x4], $0x80, v19, vm0, $0xb8;
	[tilespmem:$0x10800] =	vst v63  }
0x133: {  	_ = 	snop  }
0x134: {  	[hbm4b:s7+s3] =	stream.indirect_vreg.scatter [tilespmem:s19], [sflag:$0x4], $0x80, v19, vm0, $0xb8;
	[tilespmem:$0x10800] =	vst v63  }
0x135: {  	_ = 	snop  }
0x136: {  	[hbm4b:s8+s3] =	stream.indirect_vreg.scatter [tilespmem:s21], [sflag:$0x4], $0x80, v19, vm0, $0xb8;
	[tilespmem:$0x10800] =	vst v63  }
0x137: {  	_ = 	snop  }
0x138: {  	[hbm4b:s10+s3] =	stream.indirect_vreg.scatter [tilespmem:s22], [sflag:$0x4], $0x80, v19, vm0, $0xb8;
	[tilespmem:$0x10800] =	vst v63  }
0x139: {  	_ = 	snop  }
0x13a: {  	[hbm4b:s11+s3] =	stream.indirect_vreg.scatter [tilespmem:s23], [sflag:$0x4], $0x80, v19, vm0, $0xb8;
	[tilespmem:$0x10800] =	vst v63  }
0x13b: {  	_ = 	snop  }
0x13c: {  	[hbm4b:s12+s3] =	stream.indirect_vreg.scatter [tilespmem:s28], [sflag:$0x4], $0x80, v19, vm0, $0xb8;
	[tilespmem:$0x10800] =	vst v63  }
0x13d: {  	v19 =	vld [tilespmem:$0x10380];
	_ =	sdelay $0x4  }
0x13e: {  	v20 =	vshll.u32 v19, $0x4  }
0x13f: {  	v19 =	vand.u32 $0x7, v19;
	v20 =	vand.u32 $0xFFFFFF80, v20  }
0x140: {  	v19 =	vor.u32 v19, v20  }
0x141: {  	v20 =	vperm.xlane v19, v16;
	_ =	sdelay $0x1  }
0x142: {  	v20 =	vadd.s32 v17, v20;
	_ =	sdelay $0x4  }
0x143: {  	[hbm4b:s2+s3] =	stream.indirect_vreg.scatter [tilespmem:s0], [sflag:$0x4], $0x80, v20, vm0, $0xb8;
	[tilespmem:$0x10800] =	vst v63  }
0x144: {  	_ = 	snop  }
0x145: {  	[hbm4b:s5+s3] =	stream.indirect_vreg.scatter [tilespmem:s9], [sflag:$0x4], $0x80, v20, vm0, $0xb8;
	[tilespmem:$0x10800] =	vst v63  }
0x146: {  	_ = 	snop  }
0x147: {  	[hbm4b:s6+s3] =	stream.indirect_vreg.scatter [tilespmem:s29], [sflag:$0x4], $0x80, v20, vm0, $0xb8;
	[tilespmem:$0x10800] =	vst v63  }
0x148: {  	_ = 	snop  }
0x149: {  	[hbm4b:s7+s3] =	stream.indirect_vreg.scatter [tilespmem:s24], [sflag:$0x4], $0x80, v20, vm0, $0xb8;
	[tilespmem:$0x10800] =	vst v63  }
0x14a: {  	_ = 	snop  }
0x14b: {  	[hbm4b:s8+s3] =	stream.indirect_vreg.scatter [tilespmem:s4], [sflag:$0x4], $0x80, v20, vm0, $0xb8;
	[tilespmem:$0x10800] =	vst v63  }
0x14c: {  	v19 =	vperm.xlane v19, v18  }
0x14d: {  	[hbm4b:s10+s3] =	stream.indirect_vreg.scatter [tilespmem:s13], [sflag:$0x4], $0x80, v20, vm0, $0xb8;
	[tilespmem:$0x10800] =	vst v63  }
0x14e: {  	v19 =	vadd.s32 v17, v19  }
0x14f: {  	[hbm4b:s11+s3] =	stream.indirect_vreg.scatter [tilespmem:s14], [sflag:$0x4], $0x80, v20, vm0, $0xb8;
	[tilespmem:$0x10800] =	vst v63  }
0x150: {  	_ = 	snop  }
0x151: {  	[hbm4b:s12+s3] =	stream.indirect_vreg.scatter [tilespmem:s15], [sflag:$0x4], $0x80, v20, vm0, $0xb8;
	[tilespmem:$0x10800] =	vst v63  }
0x152: {  	_ = 	snop  }
0x153: {  	[hbm4b:s2+s3] =	stream.indirect_vreg.scatter [tilespmem:s16], [sflag:$0x4], $0x80, v19, vm0, $0xb8;
	[tilespmem:$0x10800] =	vst v63  }
0x154: {  	_ = 	snop  }
0x155: {  	[hbm4b:s5+s3] =	stream.indirect_vreg.scatter [tilespmem:s17], [sflag:$0x4], $0x80, v19, vm0, $0xb8;
	[tilespmem:$0x10800] =	vst v63  }
0x156: {  	_ = 	snop  }
0x157: {  	[hbm4b:s6+s3] =	stream.indirect_vreg.scatter [tilespmem:s18], [sflag:$0x4], $0x80, v19, vm0, $0xb8;
	[tilespmem:$0x10800] =	vst v63  }
0x158: {  	_ = 	snop  }
0x159: {  	[hbm4b:s7+s3] =	stream.indirect_vreg.scatter [tilespmem:s19], [sflag:$0x4], $0x80, v19, vm0, $0xb8;
	[tilespmem:$0x10800] =	vst v63  }
0x15a: {  	_ = 	snop  }
0x15b: {  	[hbm4b:s8+s3] =	stream.indirect_vreg.scatter [tilespmem:s21], [sflag:$0x4], $0x80, v19, vm0, $0xb8;
	[tilespmem:$0x10800] =	vst v63  }
0x15c: {  	_ = 	snop  }
0x15d: {  	[hbm4b:s10+s3] =	stream.indirect_vreg.scatter [tilespmem:s22], [sflag:$0x4], $0x80, v19, vm0, $0xb8;
	[tilespmem:$0x10800] =	vst v63  }
0x15e: {  	_ = 	snop  }
0x15f: {  	[hbm4b:s11+s3] =	stream.indirect_vreg.scatter [tilespmem:s23], [sflag:$0x4], $0x80, v19, vm0, $0xb8;
	[tilespmem:$0x10800] =	vst v63  }
0x160: {  	_ = 	snop  }
0x161: {  	[hbm4b:s12+s3] =	stream.indirect_vreg.scatter [tilespmem:s28], [sflag:$0x4], $0x80, v19, vm0, $0xb8;
	[tilespmem:$0x10800] =	vst v63  }
0x162: {  	_ =	swait.ge [sflag:s26], $0x8000  }
0x163: {  	[sflag:s26] =	ssyncset.done $0x0  }
0x164: {  	[sflag:s26] =	ssyncadd.s32 $0xFFFF8000  }
0x165: {  	_ =	swait.ge [sflag:s26], $0x8000  }
0x166: {  	[sflag:s26] =	ssyncset.done $0x0  }
0x167: {  	[sflag:s26] =	ssyncadd.s32 $0xFFFF8000  }
0x168: {  	_ =	swait.ge [sflag:s26], $0x8000  }
0x169: {  	[sflag:s26] =	ssyncset.done $0x0  }
0x16a: {  	[sflag:s26] =	ssyncadd.s32 $0xFFFF8000  }
0x16b: {  	_ =	swait.ge [sflag:s26], $0x8000  }
0x16c: {  	[sflag:s26] =	ssyncset.done $0x0  }
0x16d: {  	s30 =	simm.s32 $0x1;
	s31 =	rddreg [dreg:$0x5];
	[sflag:s26] =	ssyncadd.s32 $0xFFFF8000  }
0x16e: {  	[tilespmem:s0], [sflag:$0x2] =	stream.linear.gather [hbm4b:s31+s3], $0x8000, $0x38;
	[tilespmem:$0x10800] =	vst v63  }
0x16f: {  	_ =	swait.ge [sflag:s30], $0x8000  }
0x170: {  	[sflag:s30] =	ssyncset.done $0x0  }
0x171: {  	[sflag:s30] =	ssyncadd.s32 $0xFFFF8000  }
0x172: {  	v19 =	vld [tilespmem:$0x10400];
	_ =	sdelay $0x4  }
0x173: {  	v20 =	vshll.u32 v19, $0x4  }
0x174: {  	v19 =	vand.u32 $0x7, v19;
	v20 =	vand.u32 $0xFFFFFF80, v20  }
0x175: {  	v19 =	vor.u32 v19, v20  }
0x176: {  	v20 =	vperm.xlane v19, v16;
	_ =	sdelay $0x1  }
0x177: {  	v20 =	vadd.s32 v17, v20;
	_ =	sdelay $0x4  }
0x178: {  	[hbm4b:s2+s3] =	stream.indirect_vreg.scatter [tilespmem:s3], [sflag:$0x3], $0x80, v20, vm0, $0xb8;
	[tilespmem:$0x10800] =	vst v63  }
0x179: {  	s19 =	simm.s32 $0x800  }
0x17a: {  	[hbm4b:s5+s3] =	stream.indirect_vreg.scatter [tilespmem:s19], [sflag:$0x3], $0x80, v20, vm0, $0xb8;
	[tilespmem:$0x10800] =	vst v63  }
0x17b: {  	s28 =	simm.s32 $0x1000  }
0x17c: {  	[hbm4b:s6+s3] =	stream.indirect_vreg.scatter [tilespmem:s28], [sflag:$0x3], $0x80, v20, vm0, $0xb8;
	[tilespmem:$0x10800] =	vst v63  }
0x17d: {  	s18 =	simm.s32 $0x1800  }
0x17e: {  	[hbm4b:s7+s3] =	stream.indirect_vreg.scatter [tilespmem:s18], [sflag:$0x3], $0x80, v20, vm0, $0xb8;
	[tilespmem:$0x10800] =	vst v63  }
0x17f: {  	s16 =	simm.s32 $0x2000  }
0x180: {  	[hbm4b:s8+s3] =	stream.indirect_vreg.scatter [tilespmem:s16], [sflag:$0x3], $0x80, v20, vm0, $0xb8;
	[tilespmem:$0x10800] =	vst v63  }
0x181: {  	s0 =	simm.s32 $0x2800;
	v19 =	vperm.xlane v19, v18  }
0x182: {  	[hbm4b:s10+s3] =	stream.indirect_vreg.scatter [tilespmem:s0], [sflag:$0x3], $0x80, v20, vm0, $0xb8;
	[tilespmem:$0x10800] =	vst v63  }
0x183: {  	s1 =	simm.s32 $0x3000;
	v19 =	vadd.s32 v17, v19  }
0x184: {  	[hbm4b:s11+s3] =	stream.indirect_vreg.scatter [tilespmem:s1], [sflag:$0x3], $0x80, v20, vm0, $0xb8;
	[tilespmem:$0x10800] =	vst v63  }
0x185: {  	s31 =	simm.s32 $0x3800  }
0x186: {  	[hbm4b:s12+s3] =	stream.indirect_vreg.scatter [tilespmem:s31], [sflag:$0x3], $0x80, v20, vm0, $0xb8;
	[tilespmem:$0x10800] =	vst v63  }
0x187: {  	s30 =	simm.s32 $0x4000  }
0x188: {  	[hbm4b:s2+s3] =	stream.indirect_vreg.scatter [tilespmem:s30], [sflag:$0x3], $0x80, v19, vm0, $0xb8;
	[tilespmem:$0x10800] =	vst v63  }
0x189: {  	s24 =	simm.s32 $0x4800  }
0x18a: {  	[hbm4b:s5+s3] =	stream.indirect_vreg.scatter [tilespmem:s24], [sflag:$0x3], $0x80, v19, vm0, $0xb8;
	[tilespmem:$0x10800] =	vst v63  }
0x18b: {  	s4 =	simm.s32 $0x5000  }
0x18c: {  	[hbm4b:s6+s3] =	stream.indirect_vreg.scatter [tilespmem:s4], [sflag:$0x3], $0x80, v19, vm0, $0xb8;
	[tilespmem:$0x10800] =	vst v63  }
0x18d: {  	s9 =	simm.s32 $0x5800  }
0x18e: {  	[hbm4b:s7+s3] =	stream.indirect_vreg.scatter [tilespmem:s9], [sflag:$0x3], $0x80, v19, vm0, $0xb8;
	[tilespmem:$0x10800] =	vst v63  }
0x18f: {  	s13 =	simm.s32 $0x6000  }
0x190: {  	[hbm4b:s8+s3] =	stream.indirect_vreg.scatter [tilespmem:s13], [sflag:$0x3], $0x80, v19, vm0, $0xb8;
	[tilespmem:$0x10800] =	vst v63  }
0x191: {  	s14 =	simm.s32 $0x6800  }
0x192: {  	[hbm4b:s10+s3] =	stream.indirect_vreg.scatter [tilespmem:s14], [sflag:$0x3], $0x80, v19, vm0, $0xb8;
	[tilespmem:$0x10800] =	vst v63  }
0x193: {  	s15 =	simm.s32 $0x7000  }
0x194: {  	[hbm4b:s11+s3] =	stream.indirect_vreg.scatter [tilespmem:s15], [sflag:$0x3], $0x80, v19, vm0, $0xb8;
	[tilespmem:$0x10800] =	vst v63  }
0x195: {  	s17 =	simm.s32 $0x7800  }
0x196: {  	[hbm4b:s12+s3] =	stream.indirect_vreg.scatter [tilespmem:s17], [sflag:$0x3], $0x80, v19, vm0, $0xb8;
	[tilespmem:$0x10800] =	vst v63  }
0x197: {  	v19 =	vld [tilespmem:$0x10480];
	_ =	sdelay $0x4  }
0x198: {  	v20 =	vshll.u32 v19, $0x4  }
0x199: {  	v19 =	vand.u32 $0x7, v19;
	v20 =	vand.u32 $0xFFFFFF80, v20  }
0x19a: {  	v19 =	vor.u32 v19, v20  }
0x19b: {  	v20 =	vperm.xlane v19, v16;
	_ =	sdelay $0x1  }
0x19c: {  	v20 =	vadd.s32 v17, v20;
	_ =	sdelay $0x4  }
0x19d: {  	[hbm4b:s2+s3] =	stream.indirect_vreg.scatter [tilespmem:s3], [sflag:$0x3], $0x80, v20, vm0, $0xb8;
	[tilespmem:$0x10800] =	vst v63  }
0x19e: {  	_ = 	snop  }
0x19f: {  	[hbm4b:s5+s3] =	stream.indirect_vreg.scatter [tilespmem:s19], [sflag:$0x3], $0x80, v20, vm0, $0xb8;
	[tilespmem:$0x10800] =	vst v63  }
0x1a0: {  	_ = 	snop  }
0x1a1: {  	[hbm4b:s6+s3] =	stream.indirect_vreg.scatter [tilespmem:s28], [sflag:$0x3], $0x80, v20, vm0, $0xb8;
	[tilespmem:$0x10800] =	vst v63  }
0x1a2: {  	_ = 	snop  }
0x1a3: {  	[hbm4b:s7+s3] =	stream.indirect_vreg.scatter [tilespmem:s18], [sflag:$0x3], $0x80, v20, vm0, $0xb8;
	[tilespmem:$0x10800] =	vst v63  }
0x1a4: {  	_ = 	snop  }
0x1a5: {  	[hbm4b:s8+s3] =	stream.indirect_vreg.scatter [tilespmem:s16], [sflag:$0x3], $0x80, v20, vm0, $0xb8;
	[tilespmem:$0x10800] =	vst v63  }
0x1a6: {  	v19 =	vperm.xlane v19, v18  }
0x1a7: {  	[hbm4b:s10+s3] =	stream.indirect_vreg.scatter [tilespmem:s0], [sflag:$0x3], $0x80, v20, vm0, $0xb8;
	[tilespmem:$0x10800] =	vst v63  }
0x1a8: {  	v19 =	vadd.s32 v17, v19  }
0x1a9: {  	[hbm4b:s11+s3] =	stream.indirect_vreg.scatter [tilespmem:s1], [sflag:$0x3], $0x80, v20, vm0, $0xb8;
	[tilespmem:$0x10800] =	vst v63  }
0x1aa: {  	_ = 	snop  }
0x1ab: {  	[hbm4b:s12+s3] =	stream.indirect_vreg.scatter [tilespmem:s31], [sflag:$0x3], $0x80, v20, vm0, $0xb8;
	[tilespmem:$0x10800] =	vst v63  }
0x1ac: {  	_ = 	snop  }
0x1ad: {  	[hbm4b:s2+s3] =	stream.indirect_vreg.scatter [tilespmem:s30], [sflag:$0x3], $0x80, v19, vm0, $0xb8;
	[tilespmem:$0x10800] =	vst v63  }
0x1ae: {  	_ = 	snop  }
0x1af: {  	[hbm4b:s5+s3] =	stream.indirect_vreg.scatter [tilespmem:s24], [sflag:$0x3], $0x80, v19, vm0, $0xb8;
	[tilespmem:$0x10800] =	vst v63  }
0x1b0: {  	_ = 	snop  }
0x1b1: {  	[hbm4b:s6+s3] =	stream.indirect_vreg.scatter [tilespmem:s4], [sflag:$0x3], $0x80, v19, vm0, $0xb8;
	[tilespmem:$0x10800] =	vst v63  }
0x1b2: {  	_ = 	snop  }
0x1b3: {  	[hbm4b:s7+s3] =	stream.indirect_vreg.scatter [tilespmem:s9], [sflag:$0x3], $0x80, v19, vm0, $0xb8;
	[tilespmem:$0x10800] =	vst v63  }
0x1b4: {  	_ = 	snop  }
0x1b5: {  	[hbm4b:s8+s3] =	stream.indirect_vreg.scatter [tilespmem:s13], [sflag:$0x3], $0x80, v19, vm0, $0xb8;
	[tilespmem:$0x10800] =	vst v63  }
0x1b6: {  	_ = 	snop  }
0x1b7: {  	[hbm4b:s10+s3] =	stream.indirect_vreg.scatter [tilespmem:s14], [sflag:$0x3], $0x80, v19, vm0, $0xb8;
	[tilespmem:$0x10800] =	vst v63  }
0x1b8: {  	_ = 	snop  }
0x1b9: {  	[hbm4b:s11+s3] =	stream.indirect_vreg.scatter [tilespmem:s15], [sflag:$0x3], $0x80, v19, vm0, $0xb8;
	[tilespmem:$0x10800] =	vst v63  }
0x1ba: {  	_ = 	snop  }
0x1bb: {  	[hbm4b:s12+s3] =	stream.indirect_vreg.scatter [tilespmem:s17], [sflag:$0x3], $0x80, v19, vm0, $0xb8;
	[tilespmem:$0x10800] =	vst v63  }
0x1bc: {  	v19 =	vld [tilespmem:$0x10500];
	_ =	sdelay $0x4  }
0x1bd: {  	v20 =	vshll.u32 v19, $0x4  }
0x1be: {  	v19 =	vand.u32 $0x7, v19;
	v20 =	vand.u32 $0xFFFFFF80, v20  }
0x1bf: {  	v19 =	vor.u32 v19, v20  }
0x1c0: {  	v20 =	vperm.xlane v19, v16;
	_ =	sdelay $0x1  }
0x1c1: {  	v20 =	vadd.s32 v17, v20;
	_ =	sdelay $0x4  }
0x1c2: {  	[hbm4b:s2+s3] =	stream.indirect_vreg.scatter [tilespmem:s3], [sflag:$0x3], $0x80, v20, vm0, $0xb8;
	[tilespmem:$0x10800] =	vst v63  }
0x1c3: {  	s19 =	simm.s32 $0x800  }
0x1c4: {  	[hbm4b:s5+s3] =	stream.indirect_vreg.scatter [tilespmem:s19], [sflag:$0x3], $0x80, v20, vm0, $0xb8;
	[tilespmem:$0x10800] =	vst v63  }
0x1c5: {  	s28 =	simm.s32 $0x1000  }
0x1c6: {  	[hbm4b:s6+s3] =	stream.indirect_vreg.scatter [tilespmem:s28], [sflag:$0x3], $0x80, v20, vm0, $0xb8;
	[tilespmem:$0x10800] =	vst v63  }
0x1c7: {  	s18 =	simm.s32 $0x1800  }
0x1c8: {  	[hbm4b:s7+s3] =	stream.indirect_vreg.scatter [tilespmem:s18], [sflag:$0x3], $0x80, v20, vm0, $0xb8;
	[tilespmem:$0x10800] =	vst v63  }
0x1c9: {  	s16 =	simm.s32 $0x2000  }
0x1ca: {  	[hbm4b:s8+s3] =	stream.indirect_vreg.scatter [tilespmem:s16], [sflag:$0x3], $0x80, v20, vm0, $0xb8;
	[tilespmem:$0x10800] =	vst v63  }
0x1cb: {  	s0 =	simm.s32 $0x2800;
	v19 =	vperm.xlane v19, v18  }
0x1cc: {  	[hbm4b:s10+s3] =	stream.indirect_vreg.scatter [tilespmem:s0], [sflag:$0x3], $0x80, v20, vm0, $0xb8;
	[tilespmem:$0x10800] =	vst v63  }
0x1cd: {  	s1 =	simm.s32 $0x3000;
	v19 =	vadd.s32 v17, v19  }
0x1ce: {  	[hbm4b:s11+s3] =	stream.indirect_vreg.scatter [tilespmem:s1], [sflag:$0x3], $0x80, v20, vm0, $0xb8;
	[tilespmem:$0x10800] =	vst v63  }
0x1cf: {  	s31 =	simm.s32 $0x3800  }
0x1d0: {  	[hbm4b:s12+s3] =	stream.indirect_vreg.scatter [tilespmem:s31], [sflag:$0x3], $0x80, v20, vm0, $0xb8;
	[tilespmem:$0x10800] =	vst v63  }
0x1d1: {  	s30 =	simm.s32 $0x4000  }
0x1d2: {  	[hbm4b:s2+s3] =	stream.indirect_vreg.scatter [tilespmem:s30], [sflag:$0x3], $0x80, v19, vm0, $0xb8;
	[tilespmem:$0x10800] =	vst v63  }
0x1d3: {  	s24 =	simm.s32 $0x4800  }
0x1d4: {  	[hbm4b:s5+s3] =	stream.indirect_vreg.scatter [tilespmem:s24], [sflag:$0x3], $0x80, v19, vm0, $0xb8;
	[tilespmem:$0x10800] =	vst v63  }
0x1d5: {  	s4 =	simm.s32 $0x5000  }
0x1d6: {  	[hbm4b:s6+s3] =	stream.indirect_vreg.scatter [tilespmem:s4], [sflag:$0x3], $0x80, v19, vm0, $0xb8;
	[tilespmem:$0x10800] =	vst v63  }
0x1d7: {  	s9 =	simm.s32 $0x5800  }
0x1d8: {  	[hbm4b:s7+s3] =	stream.indirect_vreg.scatter [tilespmem:s9], [sflag:$0x3], $0x80, v19, vm0, $0xb8;
	[tilespmem:$0x10800] =	vst v63  }
0x1d9: {  	s13 =	simm.s32 $0x6000  }
0x1da: {  	[hbm4b:s8+s3] =	stream.indirect_vreg.scatter [tilespmem:s13], [sflag:$0x3], $0x80, v19, vm0, $0xb8;
	[tilespmem:$0x10800] =	vst v63  }
0x1db: {  	s14 =	simm.s32 $0x6800  }
0x1dc: {  	[hbm4b:s10+s3] =	stream.indirect_vreg.scatter [tilespmem:s14], [sflag:$0x3], $0x80, v19, vm0, $0xb8;
	[tilespmem:$0x10800] =	vst v63  }
0x1dd: {  	s15 =	simm.s32 $0x7000  }
0x1de: {  	[hbm4b:s11+s3] =	stream.indirect_vreg.scatter [tilespmem:s15], [sflag:$0x3], $0x80, v19, vm0, $0xb8;
	[tilespmem:$0x10800] =	vst v63  }
0x1df: {  	s17 =	simm.s32 $0x7800  }
0x1e0: {  	[hbm4b:s12+s3] =	stream.indirect_vreg.scatter [tilespmem:s17], [sflag:$0x3], $0x80, v19, vm0, $0xb8;
	[tilespmem:$0x10800] =	vst v63  }
0x1e1: {  	v19 =	vld [tilespmem:$0x10580];
	_ =	sdelay $0x4  }
0x1e2: {  	v20 =	vshll.u32 v19, $0x4  }
0x1e3: {  	v19 =	vand.u32 $0x7, v19;
	v20 =	vand.u32 $0xFFFFFF80, v20  }
0x1e4: {  	v19 =	vor.u32 v19, v20  }
0x1e5: {  	v20 =	vperm.xlane v19, v16;
	_ =	sdelay $0x1  }
0x1e6: {  	v20 =	vadd.s32 v17, v20;
	_ =	sdelay $0x4  }
0x1e7: {  	[hbm4b:s2+s3] =	stream.indirect_vreg.scatter [tilespmem:s3], [sflag:$0x3], $0x80, v20, vm0, $0xb8;
	[tilespmem:$0x10800] =	vst v63  }
0x1e8: {  	_ = 	snop  }
0x1e9: {  	[hbm4b:s5+s3] =	stream.indirect_vreg.scatter [tilespmem:s19], [sflag:$0x3], $0x80, v20, vm0, $0xb8;
	[tilespmem:$0x10800] =	vst v63  }
0x1ea: {  	_ = 	snop  }
0x1eb: {  	[hbm4b:s6+s3] =	stream.indirect_vreg.scatter [tilespmem:s28], [sflag:$0x3], $0x80, v20, vm0, $0xb8;
	[tilespmem:$0x10800] =	vst v63  }
0x1ec: {  	_ = 	snop  }
0x1ed: {  	[hbm4b:s7+s3] =	stream.indirect_vreg.scatter [tilespmem:s18], [sflag:$0x3], $0x80, v20, vm0, $0xb8;
	[tilespmem:$0x10800] =	vst v63  }
0x1ee: {  	_ = 	snop  }
0x1ef: {  	[hbm4b:s8+s3] =	stream.indirect_vreg.scatter [tilespmem:s16], [sflag:$0x3], $0x80, v20, vm0, $0xb8;
	[tilespmem:$0x10800] =	vst v63  }
0x1f0: {  	v19 =	vperm.xlane v19, v18  }
0x1f1: {  	[hbm4b:s10+s3] =	stream.indirect_vreg.scatter [tilespmem:s0], [sflag:$0x3], $0x80, v20, vm0, $0xb8;
	[tilespmem:$0x10800] =	vst v63  }
0x1f2: {  	v19 =	vadd.s32 v17, v19  }
0x1f3: {  	[hbm4b:s11+s3] =	stream.indirect_vreg.scatter [tilespmem:s1], [sflag:$0x3], $0x80, v20, vm0, $0xb8;
	[tilespmem:$0x10800] =	vst v63  }
0x1f4: {  	_ = 	snop  }
0x1f5: {  	[hbm4b:s12+s3] =	stream.indirect_vreg.scatter [tilespmem:s31], [sflag:$0x3], $0x80, v20, vm0, $0xb8;
	[tilespmem:$0x10800] =	vst v63  }
0x1f6: {  	_ = 	snop  }
0x1f7: {  	[hbm4b:s2+s3] =	stream.indirect_vreg.scatter [tilespmem:s30], [sflag:$0x3], $0x80, v19, vm0, $0xb8;
	[tilespmem:$0x10800] =	vst v63  }
0x1f8: {  	_ = 	snop  }
0x1f9: {  	[hbm4b:s5+s3] =	stream.indirect_vreg.scatter [tilespmem:s24], [sflag:$0x3], $0x80, v19, vm0, $0xb8;
	[tilespmem:$0x10800] =	vst v63  }
0x1fa: {  	_ = 	snop  }
0x1fb: {  	[hbm4b:s6+s3] =	stream.indirect_vreg.scatter [tilespmem:s4], [sflag:$0x3], $0x80, v19, vm0, $0xb8;
	[tilespmem:$0x10800] =	vst v63  }
0x1fc: {  	_ = 	snop  }
0x1fd: {  	[hbm4b:s7+s3] =	stream.indirect_vreg.scatter [tilespmem:s9], [sflag:$0x3], $0x80, v19, vm0, $0xb8;
	[tilespmem:$0x10800] =	vst v63  }
0x1fe: {  	_ = 	snop  }
0x1ff: {  	[hbm4b:s8+s3] =	stream.indirect_vreg.scatter [tilespmem:s13], [sflag:$0x3], $0x80, v19, vm0, $0xb8;
	[tilespmem:$0x10800] =	vst v63  }
0x200: {  	_ = 	snop  }
0x201: {  	[hbm4b:s10+s3] =	stream.indirect_vreg.scatter [tilespmem:s14], [sflag:$0x3], $0x80, v19, vm0, $0xb8;
	[tilespmem:$0x10800] =	vst v63  }
0x202: {  	_ = 	snop  }
0x203: {  	[hbm4b:s11+s3] =	stream.indirect_vreg.scatter [tilespmem:s15], [sflag:$0x3], $0x80, v19, vm0, $0xb8;
	[tilespmem:$0x10800] =	vst v63  }
0x204: {  	_ = 	snop  }
0x205: {  	[hbm4b:s12+s3] =	stream.indirect_vreg.scatter [tilespmem:s17], [sflag:$0x3], $0x80, v19, vm0, $0xb8;
	[tilespmem:$0x10800] =	vst v63  }
0x206: {  	s0 =	rddreg [dreg:$0x7];
	_ =	swait.ge [sflag:s25], $0x8000  }
0x207: {  	[sflag:s25] =	ssyncset.done $0x0  }
0x208: {  	[sflag:s25] =	ssyncadd.s32 $0xFFFF8000  }
0x209: {  	v19 =	vld [tilespmem:$0x10600];
	_ =	sdelay $0x4  }
0x20a: {  	v20 =	vshll.u32 v19, $0x4  }
0x20b: {  	v19 =	vand.u32 $0x7, v19;
	v20 =	vand.u32 $0xFFFFFF80, v20  }
0x20c: {  	v19 =	vor.u32 v19, v20  }
0x20d: {  	v20 =	vperm.xlane v19, v16;
	_ =	sdelay $0x1  }
0x20e: {  	v20 =	vadd.s32 v17, v20;
	_ =	sdelay $0x3  }
0x20f: {  	s1 =	simm.s32 $0x8000  }
0x210: {  	[hbm4b:s2+s3] =	stream.indirect_vreg.scatter [tilespmem:s1], [sflag:$0x4], $0x80, v20, vm0, $0xb8;
	[tilespmem:$0x10800] =	vst v63  }
0x211: {  	s4 =	simm.s32 $0x8800  }
0x212: {  	[hbm4b:s5+s3] =	stream.indirect_vreg.scatter [tilespmem:s4], [sflag:$0x4], $0x80, v20, vm0, $0xb8;
	[tilespmem:$0x10800] =	vst v63  }
0x213: {  	_ = 	snop  }
0x214: {  	[hbm4b:s6+s3] =	stream.indirect_vreg.scatter [tilespmem:s29], [sflag:$0x4], $0x80, v20, vm0, $0xb8;
	[tilespmem:$0x10800] =	vst v63  }
0x215: {  	s13 =	simm.s32 $0x9800  }
0x216: {  	[hbm4b:s7+s3] =	stream.indirect_vreg.scatter [tilespmem:s13], [sflag:$0x4], $0x80, v20, vm0, $0xb8;
	[tilespmem:$0x10800] =	vst v63  }
0x217: {  	s14 =	simm.s32 $0xA000  }
0x218: {  	[hbm4b:s8+s3] =	stream.indirect_vreg.scatter [tilespmem:s14], [sflag:$0x4], $0x80, v20, vm0, $0xb8;
	[tilespmem:$0x10800] =	vst v63  }
0x219: {  	s15 =	simm.s32 $0xA800;
	v19 =	vperm.xlane v19, v18  }
0x21a: {  	[hbm4b:s10+s3] =	stream.indirect_vreg.scatter [tilespmem:s15], [sflag:$0x4], $0x80, v20, vm0, $0xb8;
	[tilespmem:$0x10800] =	vst v63  }
0x21b: {  	s16 =	simm.s32 $0xB000;
	v19 =	vadd.s32 v17, v19  }
0x21c: {  	[hbm4b:s11+s3] =	stream.indirect_vreg.scatter [tilespmem:s16], [sflag:$0x4], $0x80, v20, vm0, $0xb8;
	[tilespmem:$0x10800] =	vst v63  }
0x21d: {  	s17 =	simm.s32 $0xB800  }
0x21e: {  	[hbm4b:s12+s3] =	stream.indirect_vreg.scatter [tilespmem:s17], [sflag:$0x4], $0x80, v20, vm0, $0xb8;
	[tilespmem:$0x10800] =	vst v63  }
0x21f: {  	s18 =	simm.s32 $0xC000  }
0x220: {  	[hbm4b:s2+s3] =	stream.indirect_vreg.scatter [tilespmem:s18], [sflag:$0x4], $0x80, v19, vm0, $0xb8;
	[tilespmem:$0x10800] =	vst v63  }
0x221: {  	s19 =	simm.s32 $0xC800  }
0x222: {  	[hbm4b:s5+s3] =	stream.indirect_vreg.scatter [tilespmem:s19], [sflag:$0x4], $0x80, v19, vm0, $0xb8;
	[tilespmem:$0x10800] =	vst v63  }
0x223: {  	s28 =	simm.s32 $0xD000  }
0x224: {  	[hbm4b:s6+s3] =	stream.indirect_vreg.scatter [tilespmem:s28], [sflag:$0x4], $0x80, v19, vm0, $0xb8;
	[tilespmem:$0x10800] =	vst v63  }
0x225: {  	s30 =	simm.s32 $0xD800  }
0x226: {  	[hbm4b:s7+s3] =	stream.indirect_vreg.scatter [tilespmem:s30], [sflag:$0x4], $0x80, v19, vm0, $0xb8;
	[tilespmem:$0x10800] =	vst v63  }
0x227: {  	_ = 	snop  }
0x228: {  	[hbm4b:s8+s3] =	stream.indirect_vreg.scatter [tilespmem:s21], [sflag:$0x4], $0x80, v19, vm0, $0xb8;
	[tilespmem:$0x10800] =	vst v63  }
0x229: {  	_ = 	snop  }
0x22a: {  	[hbm4b:s10+s3] =	stream.indirect_vreg.scatter [tilespmem:s22], [sflag:$0x4], $0x80, v19, vm0, $0xb8;
	[tilespmem:$0x10800] =	vst v63  }
0x22b: {  	_ = 	snop  }
0x22c: {  	[hbm4b:s11+s3] =	stream.indirect_vreg.scatter [tilespmem:s23], [sflag:$0x4], $0x80, v19, vm0, $0xb8;
	[tilespmem:$0x10800] =	vst v63  }
0x22d: {  	s31 =	simm.s32 $0xF800  }
0x22e: {  	[hbm4b:s12+s3] =	stream.indirect_vreg.scatter [tilespmem:s31], [sflag:$0x4], $0x80, v19, vm0, $0xb8;
	[tilespmem:$0x10800] =	vst v63  }
0x22f: {  	v19 =	vld [tilespmem:$0x10680];
	_ =	sdelay $0x4  }
0x230: {  	v20 =	vshll.u32 v19, $0x4  }
0x231: {  	v19 =	vand.u32 $0x7, v19;
	v20 =	vand.u32 $0xFFFFFF80, v20  }
0x232: {  	v19 =	vor.u32 v19, v20  }
0x233: {  	v20 =	vperm.xlane v19, v16;
	_ =	sdelay $0x1  }
0x234: {  	v20 =	vadd.s32 v17, v20;
	_ =	sdelay $0x4  }
0x235: {  	[hbm4b:s2+s3] =	stream.indirect_vreg.scatter [tilespmem:s1], [sflag:$0x4], $0x80, v20, vm0, $0xb8;
	[tilespmem:$0x10800] =	vst v63  }
0x236: {  	_ = 	snop  }
0x237: {  	[hbm4b:s5+s3] =	stream.indirect_vreg.scatter [tilespmem:s4], [sflag:$0x4], $0x80, v20, vm0, $0xb8;
	[tilespmem:$0x10800] =	vst v63  }
0x238: {  	_ = 	snop  }
0x239: {  	[hbm4b:s6+s3] =	stream.indirect_vreg.scatter [tilespmem:s29], [sflag:$0x4], $0x80, v20, vm0, $0xb8;
	[tilespmem:$0x10800] =	vst v63  }
0x23a: {  	_ = 	snop  }
0x23b: {  	[hbm4b:s7+s3] =	stream.indirect_vreg.scatter [tilespmem:s13], [sflag:$0x4], $0x80, v20, vm0, $0xb8;
	[tilespmem:$0x10800] =	vst v63  }
0x23c: {  	_ = 	snop  }
0x23d: {  	[hbm4b:s8+s3] =	stream.indirect_vreg.scatter [tilespmem:s14], [sflag:$0x4], $0x80, v20, vm0, $0xb8;
	[tilespmem:$0x10800] =	vst v63  }
0x23e: {  	v19 =	vperm.xlane v19, v18  }
0x23f: {  	[hbm4b:s10+s3] =	stream.indirect_vreg.scatter [tilespmem:s15], [sflag:$0x4], $0x80, v20, vm0, $0xb8;
	[tilespmem:$0x10800] =	vst v63  }
0x240: {  	v19 =	vadd.s32 v17, v19  }
0x241: {  	[hbm4b:s11+s3] =	stream.indirect_vreg.scatter [tilespmem:s16], [sflag:$0x4], $0x80, v20, vm0, $0xb8;
	[tilespmem:$0x10800] =	vst v63  }
0x242: {  	_ = 	snop  }
0x243: {  	[hbm4b:s12+s3] =	stream.indirect_vreg.scatter [tilespmem:s17], [sflag:$0x4], $0x80, v20, vm0, $0xb8;
	[tilespmem:$0x10800] =	vst v63  }
0x244: {  	_ = 	snop  }
0x245: {  	[hbm4b:s2+s3] =	stream.indirect_vreg.scatter [tilespmem:s18], [sflag:$0x4], $0x80, v19, vm0, $0xb8;
	[tilespmem:$0x10800] =	vst v63  }
0x246: {  	_ = 	snop  }
0x247: {  	[hbm4b:s5+s3] =	stream.indirect_vreg.scatter [tilespmem:s19], [sflag:$0x4], $0x80, v19, vm0, $0xb8;
	[tilespmem:$0x10800] =	vst v63  }
0x248: {  	_ = 	snop  }
0x249: {  	[hbm4b:s6+s3] =	stream.indirect_vreg.scatter [tilespmem:s28], [sflag:$0x4], $0x80, v19, vm0, $0xb8;
	[tilespmem:$0x10800] =	vst v63  }
0x24a: {  	_ = 	snop  }
0x24b: {  	[hbm4b:s7+s3] =	stream.indirect_vreg.scatter [tilespmem:s30], [sflag:$0x4], $0x80, v19, vm0, $0xb8;
	[tilespmem:$0x10800] =	vst v63  }
0x24c: {  	_ = 	snop  }
0x24d: {  	[hbm4b:s8+s3] =	stream.indirect_vreg.scatter [tilespmem:s21], [sflag:$0x4], $0x80, v19, vm0, $0xb8;
	[tilespmem:$0x10800] =	vst v63  }
0x24e: {  	_ = 	snop  }
0x24f: {  	[hbm4b:s10+s3] =	stream.indirect_vreg.scatter [tilespmem:s22], [sflag:$0x4], $0x80, v19, vm0, $0xb8;
	[tilespmem:$0x10800] =	vst v63  }
0x250: {  	_ = 	snop  }
0x251: {  	[hbm4b:s11+s3] =	stream.indirect_vreg.scatter [tilespmem:s23], [sflag:$0x4], $0x80, v19, vm0, $0xb8;
	[tilespmem:$0x10800] =	vst v63  }
0x252: {  	_ = 	snop  }
0x253: {  	[hbm4b:s12+s3] =	stream.indirect_vreg.scatter [tilespmem:s31], [sflag:$0x4], $0x80, v19, vm0, $0xb8;
	[tilespmem:$0x10800] =	vst v63  }
0x254: {  	v19 =	vld [tilespmem:$0x10700];
	_ =	sdelay $0x4  }
0x255: {  	v20 =	vshll.u32 v19, $0x4  }
0x256: {  	v19 =	vand.u32 $0x7, v19;
	v20 =	vand.u32 $0xFFFFFF80, v20  }
0x257: {  	v19 =	vor.u32 v19, v20  }
0x258: {  	v20 =	vperm.xlane v19, v16;
	_ =	sdelay $0x1  }
0x259: {  	v20 =	vadd.s32 v17, v20;
	_ =	sdelay $0x3  }
0x25a: {  	s25 =	simm.s32 $0x8000  }
0x25b: {  	[hbm4b:s2+s3] =	stream.indirect_vreg.scatter [tilespmem:s25], [sflag:$0x4], $0x80, v20, vm0, $0xb8;
	[tilespmem:$0x10800] =	vst v63  }
0x25c: {  	s9 =	simm.s32 $0x8800  }
0x25d: {  	[hbm4b:s5+s3] =	stream.indirect_vreg.scatter [tilespmem:s9], [sflag:$0x4], $0x80, v20, vm0, $0xb8;
	[tilespmem:$0x10800] =	vst v63  }
0x25e: {  	_ = 	snop  }
0x25f: {  	[hbm4b:s6+s3] =	stream.indirect_vreg.scatter [tilespmem:s29], [sflag:$0x4], $0x80, v20, vm0, $0xb8;
	[tilespmem:$0x10800] =	vst v63  }
0x260: {  	s24 =	simm.s32 $0x9800  }
0x261: {  	[hbm4b:s7+s3] =	stream.indirect_vreg.scatter [tilespmem:s24], [sflag:$0x4], $0x80, v20, vm0, $0xb8;
	[tilespmem:$0x10800] =	vst v63  }
0x262: {  	s4 =	simm.s32 $0xA000  }
0x263: {  	[hbm4b:s8+s3] =	stream.indirect_vreg.scatter [tilespmem:s4], [sflag:$0x4], $0x80, v20, vm0, $0xb8;
	[tilespmem:$0x10800] =	vst v63  }
0x264: {  	s13 =	simm.s32 $0xA800;
	v19 =	vperm.xlane v19, v18  }
0x265: {  	[hbm4b:s10+s3] =	stream.indirect_vreg.scatter [tilespmem:s13], [sflag:$0x4], $0x80, v20, vm0, $0xb8;
	[tilespmem:$0x10800] =	vst v63  }
0x266: {  	s14 =	simm.s32 $0xB000;
	v19 =	vadd.s32 v17, v19  }
0x267: {  	[hbm4b:s11+s3] =	stream.indirect_vreg.scatter [tilespmem:s14], [sflag:$0x4], $0x80, v20, vm0, $0xb8;
	[tilespmem:$0x10800] =	vst v63  }
0x268: {  	s15 =	simm.s32 $0xB800  }
0x269: {  	[hbm4b:s12+s3] =	stream.indirect_vreg.scatter [tilespmem:s15], [sflag:$0x4], $0x80, v20, vm0, $0xb8;
	[tilespmem:$0x10800] =	vst v63  }
0x26a: {  	s16 =	simm.s32 $0xC000  }
0x26b: {  	[hbm4b:s2+s3] =	stream.indirect_vreg.scatter [tilespmem:s16], [sflag:$0x4], $0x80, v19, vm0, $0xb8;
	[tilespmem:$0x10800] =	vst v63  }
0x26c: {  	s17 =	simm.s32 $0xC800  }
0x26d: {  	[hbm4b:s5+s3] =	stream.indirect_vreg.scatter [tilespmem:s17], [sflag:$0x4], $0x80, v19, vm0, $0xb8;
	[tilespmem:$0x10800] =	vst v63  }
0x26e: {  	s28 =	simm.s32 $0xD000  }
0x26f: {  	[hbm4b:s6+s3] =	stream.indirect_vreg.scatter [tilespmem:s28], [sflag:$0x4], $0x80, v19, vm0, $0xb8;
	[tilespmem:$0x10800] =	vst v63  }
0x270: {  	s30 =	simm.s32 $0xD800  }
0x271: {  	[hbm4b:s7+s3] =	stream.indirect_vreg.scatter [tilespmem:s30], [sflag:$0x4], $0x80, v19, vm0, $0xb8;
	[tilespmem:$0x10800] =	vst v63  }
0x272: {  	_ = 	snop  }
0x273: {  	[hbm4b:s8+s3] =	stream.indirect_vreg.scatter [tilespmem:s21], [sflag:$0x4], $0x80, v19, vm0, $0xb8;
	[tilespmem:$0x10800] =	vst v63  }
0x274: {  	_ = 	snop  }
0x275: {  	[hbm4b:s10+s3] =	stream.indirect_vreg.scatter [tilespmem:s22], [sflag:$0x4], $0x80, v19, vm0, $0xb8;
	[tilespmem:$0x10800] =	vst v63  }
0x276: {  	_ = 	snop  }
0x277: {  	[hbm4b:s11+s3] =	stream.indirect_vreg.scatter [tilespmem:s23], [sflag:$0x4], $0x80, v19, vm0, $0xb8;
	[tilespmem:$0x10800] =	vst v63  }
0x278: {  	s31 =	simm.s32 $0xF800  }
0x279: {  	[hbm4b:s12+s3] =	stream.indirect_vreg.scatter [tilespmem:s31], [sflag:$0x4], $0x80, v19, vm0, $0xb8;
	[tilespmem:$0x10800] =	vst v63  }
0x27a: {  	v19 =	vld [tilespmem:$0x10780];
	_ =	sdelay $0x4  }
0x27b: {  	v20 =	vshll.u32 v19, $0x4  }
0x27c: {  	v19 =	vand.u32 $0x7, v19;
	v20 =	vand.u32 $0xFFFFFF80, v20  }
0x27d: {  	v19 =	vor.u32 v19, v20  }
0x27e: {  	v20 =	vperm.xlane v19, v16;
	_ =	sdelay $0x1  }
0x27f: {  	v20 =	vadd.s32 v17, v20;
	_ =	sdelay $0x4  }
0x280: {  	[hbm4b:s2+s3] =	stream.indirect_vreg.scatter [tilespmem:s25], [sflag:$0x4], $0x80, v20, vm0, $0xb8;
	[tilespmem:$0x10800] =	vst v63  }
0x281: {  	_ = 	snop  }
0x282: {  	[hbm4b:s5+s3] =	stream.indirect_vreg.scatter [tilespmem:s9], [sflag:$0x4], $0x80, v20, vm0, $0xb8;
	[tilespmem:$0x10800] =	vst v63  }
0x283: {  	_ = 	snop  }
0x284: {  	[hbm4b:s6+s3] =	stream.indirect_vreg.scatter [tilespmem:s29], [sflag:$0x4], $0x80, v20, vm0, $0xb8;
	[tilespmem:$0x10800] =	vst v63  }
0x285: {  	_ = 	snop  }
0x286: {  	[hbm4b:s7+s3] =	stream.indirect_vreg.scatter [tilespmem:s24], [sflag:$0x4], $0x80, v20, vm0, $0xb8;
	[tilespmem:$0x10800] =	vst v63  }
0x287: {  	_ = 	snop  }
0x288: {  	[hbm4b:s8+s3] =	stream.indirect_vreg.scatter [tilespmem:s4], [sflag:$0x4], $0x80, v20, vm0, $0xb8;
	[tilespmem:$0x10800] =	vst v63  }
0x289: {  	v19 =	vperm.xlane v19, v18  }
0x28a: {  	[hbm4b:s10+s3] =	stream.indirect_vreg.scatter [tilespmem:s13], [sflag:$0x4], $0x80, v20, vm0, $0xb8;
	[tilespmem:$0x10800] =	vst v63  }
0x28b: {  	v19 =	vadd.s32 v17, v19  }
0x28c: {  	[hbm4b:s11+s3] =	stream.indirect_vreg.scatter [tilespmem:s14], [sflag:$0x4], $0x80, v20, vm0, $0xb8;
	[tilespmem:$0x10800] =	vst v63  }
0x28d: {  	_ = 	snop  }
0x28e: {  	[hbm4b:s12+s3] =	stream.indirect_vreg.scatter [tilespmem:s15], [sflag:$0x4], $0x80, v20, vm0, $0xb8;
	[tilespmem:$0x10800] =	vst v63  }
0x28f: {  	_ = 	snop  }
0x290: {  	[hbm4b:s2+s3] =	stream.indirect_vreg.scatter [tilespmem:s16], [sflag:$0x4], $0x80, v19, vm0, $0xb8;
	[tilespmem:$0x10800] =	vst v63  }
0x291: {  	_ = 	snop  }
0x292: {  	[hbm4b:s5+s3] =	stream.indirect_vreg.scatter [tilespmem:s17], [sflag:$0x4], $0x80, v19, vm0, $0xb8;
	[tilespmem:$0x10800] =	vst v63  }
0x293: {  	_ = 	snop  }
0x294: {  	[hbm4b:s6+s3] =	stream.indirect_vreg.scatter [tilespmem:s28], [sflag:$0x4], $0x80, v19, vm0, $0xb8;
	[tilespmem:$0x10800] =	vst v63  }
0x295: {  	_ = 	snop  }
0x296: {  	[hbm4b:s7+s3] =	stream.indirect_vreg.scatter [tilespmem:s30], [sflag:$0x4], $0x80, v19, vm0, $0xb8;
	[tilespmem:$0x10800] =	vst v63  }
0x297: {  	_ = 	snop  }
0x298: {  	[hbm4b:s8+s3] =	stream.indirect_vreg.scatter [tilespmem:s21], [sflag:$0x4], $0x80, v19, vm0, $0xb8;
	[tilespmem:$0x10800] =	vst v63  }
0x299: {  	_ = 	snop  }
0x29a: {  	[hbm4b:s10+s3] =	stream.indirect_vreg.scatter [tilespmem:s22], [sflag:$0x4], $0x80, v19, vm0, $0xb8;
	[tilespmem:$0x10800] =	vst v63  }
0x29b: {  	_ = 	snop  }
0x29c: {  	[hbm4b:s11+s3] =	stream.indirect_vreg.scatter [tilespmem:s23], [sflag:$0x4], $0x80, v19, vm0, $0xb8;
	[tilespmem:$0x10800] =	vst v63  }
0x29d: {  	_ = 	snop  }
0x29e: {  	[hbm4b:s12+s3] =	stream.indirect_vreg.scatter [tilespmem:s31], [sflag:$0x4], $0x80, v19, vm0, $0xb8;
	[tilespmem:$0x10800] =	vst v63  }
0x29f: {  	_ =	swait.ge [sflag:s20], $0x8000  }
0x2a0: {  	[sflag:s20] =	ssyncset.done $0x0  }
0x2a1: {  	[sflag:s20] =	ssyncadd.s32 $0xFFFF8000  }
0x2a2: {  	_ =	swait.ge [sflag:s20], $0x8000  }
0x2a3: {  	[sflag:s20] =	ssyncset.done $0x0  }
0x2a4: {  	[sflag:s20] =	ssyncadd.s32 $0xFFFF8000  }
0x2a5: {  	_ =	swait.ge [sflag:s20], $0x8000  }
0x2a6: {  	[sflag:s20] =	ssyncset.done $0x0  }
0x2a7: {  	[sflag:s20] =	ssyncadd.s32 $0xFFFF8000  }
0x2a8: {  	_ =	swait.ge [sflag:s20], $0x8000  }
0x2a9: {  	[sflag:s20] =	ssyncset.done $0x0  }
0x2aa: {  	[sflag:s20] =	ssyncadd.s32 $0xFFFF8000  }
0x2ab: {  	_ =	swait.ge [sflag:s26], $0x8000  }
0x2ac: {  	[sflag:s26] =	ssyncset.done $0x0  }
0x2ad: {  	[sflag:s26] =	ssyncadd.s32 $0xFFFF8000  }
0x2ae: {  	_ =	swait.ge [sflag:s26], $0x8000  }
0x2af: {  	[sflag:s26] =	ssyncset.done $0x0  }
0x2b0: {  	[sflag:s26] =	ssyncadd.s32 $0xFFFF8000  }
0x2b1: {  	p0 =	sne.s32 s0, $0x1;
	_ =	swait.ge [sflag:s26], $0x8000  }
.Ltmp0:
0x2b2: {  	[sflag:s26] =	ssyncset.done $0x0;
	(pc) =	sbr.rel @p0 .LBB2_1-.Ltmp0, $4  }
0x2b3: {  	[sflag:s26] =	ssyncadd.s32 $0xFFFF8000  }
0x2b4: {  	_ =	swait.ge [sflag:s26], $0x8000  }
0x2b5: {  	[sflag:s26] =	ssyncset.done $0x0  }
0x2b6: {  	s0 =	sadd.s32 $0xFFFFFFFF, s0;
	[sflag:s26] =	ssyncadd.s32 $0xFFFF8000  }
0x2b7: {  	_ =	sfence.sel $0x180000  }
0x2b8: {  	[bflag:$0x0] =	sbarrier.arrive $0xFFFF  }
0x2b9: {  	_ =	strace $0x90000047  }
0x2ba: {  	s0 =	stileid.u32;
	[bflag:$0x2] =	sbarrier.arrive $0xFFFF  }
0x2bb: {  	p0 =	sne.s32 s0, $0x0;
	s0 =	rddreg [dreg:$0x2]  }
0x2bc: {  	s0 =	sadd.s32 @!p0 $0x100000, s0  }
0x2bd: {  	[sflag:s0] =	ssyncadd.tile.s32 @!p0 $0x1;
	_ =	shalt  }
.Lfunc_end2:
_tile_overlayer_lowered:
.L_overlay_start_2:
0x2be: {  	(tag) =	ssettag $0x2  }
0x2bf: {  	s0 =	rddreg [dreg:$0x0];
	s2 =	stileid.u32  }
0x2c0: {  	s1 =	rddreg [dreg:$0x1];
	p0 =	sne.s32 s2, $0x0  }
0x2c1: {  	s3 =	rddreg [dreg:$0x2];
	[bflag:$0x3] =	sbarrier.arrive $0xFFFF;
	s2 =	simm.s32 @!p0 $0x1C05  }
0x2c2: {  	[timem:s3], [sflag:s2] =	dma.local @!p0 [hbm:s0], s1  }
0x2c3: {  	s0 =	simm.s32 @!p0 $0x5  }
0x2c4: {  	_ =	swait.ge @!p0 [sflag:s0], s1  }
0x2c5: {  	s1 =	ssub.s32 @!p0 $0x0, s1;
	[sflag:s0] =	ssyncset.done @!p0 $0x0  }
0x2c6: {  	[sflag:s0] =	ssyncadd.s32 @!p0 s1  }
0x2c7: {  	[bflag:$0x3] =	sbarrier.arrive $0xFFFF  }
0x2c8: {  	_ =	shalt  }

</sc_bundles>
